<compile_context>
chip_gen: v7x
topology: tpu7x:2x2x1
jax: 0.10.2.dev20260603
libtpu: 0.0.44.dev20260713+nightly
codegen_flags: <defaults>
</compile_context>

<pallas_src>
import jax
import jax.numpy as jnp
from jax import lax
from jax.experimental import pallas as pl
from jax.experimental.pallas import tpu as pltpu
from jax.experimental.pallas import tpu_sc as plsc


def _make_kernel(b, f, h, w):
    mesh = plsc.VectorSubcoreMesh(core_axis_name="c", subcore_axis_name="s")
    info = plsc.get_sparse_core_info()
    nc, ns = info.num_cores, info.num_subcores
    nw = nc * ns
    rows_per_w = 2 * f // nw
    hw = h * w

    def body(xet_hbm, yet_hbm, o_hbm, xet_v, yet_v, slab_v, sem):
        wid = lax.axis_index("s") * nc + lax.axis_index("c")
        c0 = rows_per_w * wid
        pltpu.sync_copy(xet_hbm, xet_v)
        pltpu.sync_copy(yet_hbm, yet_v)

        def build_x():
            def cl_body(cl, _):
                c = c0 + cl
                v0 = xet_v[c, pl.ds(0, 16)]
                v1 = xet_v[c, pl.ds(16, 16)]

                def i_body(i, _):
                    slab_v[cl, pl.ds(i * w, 16)] = v0
                    slab_v[cl, pl.ds(i * w + 16, 16)] = v1
                    return 0

                return lax.fori_loop(0, h, i_body, 0) * 0

            lax.fori_loop(0, rows_per_w, cl_body, 0)

        def build_y():
            def cl_body(cl, _):
                cevec = jnp.full((16,), c0 - f + cl, jnp.int32)

                def i_body(i, _):
                    sv = plsc.load_gather(
                        yet_v, [cevec, jnp.full((16,), i, jnp.int32)])
                    slab_v[cl, pl.ds(i * w, 16)] = sv
                    slab_v[cl, pl.ds(i * w + 16, 16)] = sv
                    return 0

                return lax.fori_loop(0, h, i_body, 0) * 0

            lax.fori_loop(0, rows_per_w, cl_body, 0)

        lax.cond(wid < f // rows_per_w, build_x, build_y)

        copies = [
            pltpu.async_copy(slab_v, o_hbm.at[bb, pl.ds(c0, rows_per_w)], sem)
            for bb in range(b)
        ]
        for cp in copies:
            cp.wait()

    return pl.kernel(
        body,
        mesh=mesh,
        out_type=jax.ShapeDtypeStruct((b, 2 * f, hw), jnp.float32),
        scratch_types=[
            pltpu.VMEM((f, w), jnp.float32),
            pltpu.VMEM((f, h), jnp.float32),
            pltpu.VMEM((rows_per_w, hw), jnp.float32),
            pltpu.SemaphoreType.DMA,
        ],
        compiler_params=pltpu.CompilerParams(
            use_tc_tiling_on_sc=False, needs_layout_passes=False),
    )


def kernel(x, xenc, yenc):
    b = x.shape[0]
    h, w = x.shape[-2], x.shape[-1]
    f = xenc.shape[1]
    xet = jnp.transpose(xenc[:w])
    yet = jnp.transpose(yenc[:h])
    out = _make_kernel(b, f, h, w)(xet, yet)
    return out.reshape(b, 2 * f, h, w)

# --- scband reference (transcript-rebuilt; emitter-appended) ---
"""Pipeline reference for scband-learned-pos-encoding-52261162057844 (READ-ONLY COPY).

The authoritative reference and input builder live on the scoring server;
editing this copy changes nothing except your own understanding.
"""

import jax, jax.numpy as jnp
import numpy as np


def setup_inputs(seed: int = 0) -> dict:
    key = jax.random.key(seed)
    k1, k2, k3 = jax.random.split(key, 3)
    x = jax.random.normal(k1, (16, 384, 32, 32), dtype=jnp.float32)
    # learned parameters sized per init_kwargs: Embedding(in_features=50, feature_encoding=256)
    xenc = jax.random.normal(k2, (50, 256), dtype=jnp.float32)
    yenc = jax.random.normal(k3, (50, 256), dtype=jnp.float32)
    return {"x": x, "xenc": xenc, "yenc": yenc}


def reference(x, xenc, yenc):
    h, w = x.shape[-2], x.shape[-1]
    b = x.shape[0]
    # embedding lookups (gather rows of the tables)
    x_pos = jnp.take(xenc, jnp.arange(w), axis=0)  # [w, F]
    y_pos = jnp.take(yenc, jnp.arange(h), axis=0)  # [h, F]
    f = x_pos.shape[-1]
    # x_pos.unsqueeze(0).repeat(h, 1, 1) -> [h, w, F]
    xp = jnp.broadcast_to(x_pos[None, :, :], (h, w, f))
    # y_pos.unsqueeze(1).repeat(1, w, 1) -> [h, w, F]
    yp = jnp.broadcast_to(y_pos[:, None, :], (h, w, f))
    pos = jnp.concatenate([xp, yp], axis=-1)          # [h, w, 2F]
    pos = jnp.transpose(pos, (2, 0, 1))               # [2F, h, w]
    pos = jnp.broadcast_to(pos[None], (b,) + pos.shape)  # [B, 2F, h, w]
    return pos

if __name__ == "__main__":
    import jax
    _d = setup_inputs()
    print(jax.jit(kernel)(*tuple(_d.values())))

</pallas_src>

<mosaic_0001>
#map = affine_map<(d0, d1) -> (0, 0)>
#map1 = affine_map<(d0, d1) -> (0, 0, 0)>
module attributes {stable_mosaic.version = 14 : i64} {
  func.func @body(%arg0: i32, %arg1: i32, %arg2: memref<256x32xf32, #tpu.memory_space<hbm>>, %arg3: memref<256x32xf32, #tpu.memory_space<hbm>>, %arg4: memref<16x512x1024xf32, #tpu.memory_space<hbm>>, %arg5: memref<256x32xf32, #tpu.memory_space<vmem>>, %arg6: memref<256x32xf32, #tpu.memory_space<vmem>>, %arg7: memref<16x1024xf32, #tpu.memory_space<vmem>>, %arg8: memref<!tpu.dma_semaphore, #tpu.memory_space<semaphore_mem>>) attributes {dimension_semantics = [#tpu.dimension_semantics<core_parallel>, #tpu.dimension_semantics<subcore_parallel>], iteration_bounds = array<i64: 2, 16>, scalar_prefetch = 0 : i64, scratch_operands = 4 : i64, tpu.core_type = #tpu.core_type<sc_vector_subcore>, window_params = [{transform_indices = #map}, {transform_indices = #map}, {transform_indices = #map1}]} {
    %mul3A = arith.constant 2 : i32
    %mul3A_0 = arith.muli %arg1, %mul3A : i32
    %add3A = arith.addi %mul3A_0, %arg0 : i32
    %mul3A_1 = arith.constant 16 : i32
    %mul3A_2 = arith.muli %mul3A_1, %add3A : i32
    "tpu.region"() ({
      %run_scoped3A = tpu.sem_alloc : memref<!tpu.dma_semaphore, #tpu.memory_space<semaphore_mem>>
      tpu.enqueue_dma source(%arg2 : memref<256x32xf32, #tpu.memory_space<hbm>>) target(%arg5 : memref<256x32xf32, #tpu.memory_space<vmem>>) target_semaphore(%run_scoped3A : memref<!tpu.dma_semaphore, #tpu.memory_space<semaphore_mem>>)
      tpu.wait_dma2 semaphore(%run_scoped3A : memref<!tpu.dma_semaphore, #tpu.memory_space<semaphore_mem>>) src(%arg2 : memref<256x32xf32, #tpu.memory_space<hbm>>) dst(%arg5 : memref<256x32xf32, #tpu.memory_space<vmem>>)
      tpu.yield
    }) : () -> ()
    "tpu.region"() ({
      %run_scoped3A = tpu.sem_alloc : memref<!tpu.dma_semaphore, #tpu.memory_space<semaphore_mem>>
      tpu.enqueue_dma source(%arg3 : memref<256x32xf32, #tpu.memory_space<hbm>>) target(%arg6 : memref<256x32xf32, #tpu.memory_space<vmem>>) target_semaphore(%run_scoped3A : memref<!tpu.dma_semaphore, #tpu.memory_space<semaphore_mem>>)
      tpu.wait_dma2 semaphore(%run_scoped3A : memref<!tpu.dma_semaphore, #tpu.memory_space<semaphore_mem>>) src(%arg3 : memref<256x32xf32, #tpu.memory_space<hbm>>) dst(%arg6 : memref<256x32xf32, #tpu.memory_space<vmem>>)
      tpu.yield
    }) : () -> ()
    %lt3A = arith.constant 16 : i32
    %lt3A_3 = arith.cmpi slt, %add3A, %lt3A : i32
    %convert_element_type3A = arith.extui %lt3A_3 : i1 to i32
    %cond3A = arith.constant 0 : i32
    %cond3A_4 = arith.cmpi ne, %convert_element_type3A, %cond3A : i32
    scf.if %cond3A_4 {
      %scan3A = arith.constant 0 : i32
      %scan3A_227 = arith.constant 0 : i32
      %scan3A_228 = arith.constant 16 : i32
      %scan3A_229 = arith.addi %scan3A_227, %scan3A_228 : i32
      %scan3A_230 = arith.constant 1 : i32
      %scan3A_231 = scf.for %scan3A_233 = %scan3A_227 to %scan3A_229 step %scan3A_230 iter_args(%scan3A_234 = %scan3A) -> (i32)  : i32 {
        %add3A_235 = arith.addi %mul3A_2, %scan3A_233 : i32
        %get3A = arith.index_cast %add3A_235 : i32 to index
        %get3A_236 = arith.constant 0 : index
        %get3A_237 = tpu.vector_load %arg5[%get3A, %get3A_236] {strides = array<i32>} : memref<256x32xf32, #tpu.memory_space<vmem>>, vector<16xf32>,
        %get3A_238 = arith.index_cast %add3A_235 : i32 to index
        %get3A_239 = arith.constant 16 : index
        %get3A_240 = tpu.vector_load %arg5[%get3A_238, %get3A_239] {strides = array<i32>} : memref<256x32xf32, #tpu.memory_space<vmem>>, vector<16xf32>,
        %scan3A_241 = arith.constant 0 : i32
        %scan3A_242 = arith.constant 0 : i32
        %scan3A_243 = arith.constant 32 : i32
        %scan3A_244 = arith.addi %scan3A_242, %scan3A_243 : i32
        %scan3A_245 = arith.constant 1 : i32
        %scan3A_246 = scf.for %scan3A_250 = %scan3A_242 to %scan3A_244 step %scan3A_245 iter_args(%scan3A_251 = %scan3A_241) -> (i32)  : i32 {
          %mul3A_252 = arith.constant 32 : i32
          %mul3A_253 = arith.muli %scan3A_250, %mul3A_252 : i32
          %swap3A = arith.index_cast %scan3A_233 : i32 to index
          %swap3A_254 = arith.index_cast %mul3A_253 : i32 to index
          %swap3A_255 = tpu.vector_load %arg7[%swap3A, %swap3A_254] {strides = array<i32>} : memref<16x1024xf32, #tpu.memory_space<vmem>>, vector<16xf32>,
          tpu.vector_store %arg7[%swap3A, %swap3A_254], %get3A_237 {strides = array<i32>} : memref<16x1024xf32, #tpu.memory_space<vmem>>, vector<16xf32>,
          %mul3A_256 = arith.constant 32 : i32
          %mul3A_257 = arith.muli %scan3A_250, %mul3A_256 : i32
          %add3A_258 = arith.constant 16 : i32
          %add3A_259 = arith.addi %mul3A_257, %add3A_258 : i32
          %swap3A_260 = arith.index_cast %scan3A_233 : i32 to index
          %swap3A_261 = arith.index_cast %add3A_259 : i32 to index
          %swap3A_262 = tpu.vector_load %arg7[%swap3A_260, %swap3A_261] {strides = array<i32>} : memref<16x1024xf32, #tpu.memory_space<vmem>>, vector<16xf32>,
          tpu.vector_store %arg7[%swap3A_260, %swap3A_261], %get3A_240 {strides = array<i32>} : memref<16x1024xf32, #tpu.memory_space<vmem>>, vector<16xf32>,
          %scan3A_263 = arith.constant 0 : i32
          scf.yield %scan3A_263 : i32
        }
        %scan3A_247 = arith.constant 32 : i32
        %mul3A_248 = arith.constant 0 : i32
        %mul3A_249 = arith.muli %scan3A_246, %mul3A_248 : i32
        scf.yield %mul3A_249 : i32
      }
      %scan3A_232 = arith.constant 16 : i32
    } else {
      %scan3A = arith.constant 0 : i32
      %scan3A_227 = arith.constant 0 : i32
      %scan3A_228 = arith.constant 16 : i32
      %scan3A_229 = arith.addi %scan3A_227, %scan3A_228 : i32
      %scan3A_230 = arith.constant 1 : i32
      %scan3A_231 = scf.for %scan3A_233 = %scan3A_227 to %scan3A_229 step %scan3A_230 iter_args(%scan3A_234 = %scan3A) -> (i32)  : i32 {
        %sub3A = arith.constant 256 : i32
        %sub3A_235 = arith.subi %mul3A_2, %sub3A : i32
        %add3A_236 = arith.addi %sub3A_235, %scan3A_233 : i32
        %broadcast_in_dim3A = vector.broadcast %add3A_236 : i32 to vector<16xi32>
        %scan3A_237 = arith.constant 0 : i32
        %scan3A_238 = arith.constant 0 : i32
        %scan3A_239 = arith.constant 32 : i32
        %scan3A_240 = arith.addi %scan3A_238, %scan3A_239 : i32
        %scan3A_241 = arith.constant 1 : i32
        %scan3A_242 = scf.for %scan3A_246 = %scan3A_238 to %scan3A_240 step %scan3A_241 iter_args(%scan3A_247 = %scan3A_237) -> (i32)  : i32 {
          %broadcast_in_dim3A_248 = vector.broadcast %scan3A_246 : i32 to vector<16xi32>
          %gather3A = tpu.vector_load_idx %arg6[%broadcast_in_dim3A, %broadcast_in_dim3A_248] : memref<256x32xf32, #tpu.memory_space<vmem>>[vector<16xi32>, vector<16xi32>], vector<16xf32>,
          %mul3A_249 = arith.constant 32 : i32
          %mul3A_250 = arith.muli %scan3A_246, %mul3A_249 : i32
          %swap3A = arith.index_cast %scan3A_233 : i32 to index
          %swap3A_251 = arith.index_cast %mul3A_250 : i32 to index
          %swap3A_252 = tpu.vector_load %arg7[%swap3A, %swap3A_251] {strides = array<i32>} : memref<16x1024xf32, #tpu.memory_space<vmem>>, vector<16xf32>,
          tpu.vector_store %arg7[%swap3A, %swap3A_251], %gather3A {strides = array<i32>} : memref<16x1024xf32, #tpu.memory_space<vmem>>, vector<16xf32>,
          %mul3A_253 = arith.constant 32 : i32
          %mul3A_254 = arith.muli %scan3A_246, %mul3A_253 : i32
          %add3A_255 = arith.constant 16 : i32
          %add3A_256 = arith.addi %mul3A_254, %add3A_255 : i32
          %swap3A_257 = arith.index_cast %scan3A_233 : i32 to index
          %swap3A_258 = arith.index_cast %add3A_256 : i32 to index
          %swap3A_259 = tpu.vector_load %arg7[%swap3A_257, %swap3A_258] {strides = array<i32>} : memref<16x1024xf32, #tpu.memory_space<vmem>>, vector<16xf32>,
          tpu.vector_store %arg7[%swap3A_257, %swap3A_258], %gather3A {strides = array<i32>} : memref<16x1024xf32, #tpu.memory_space<vmem>>, vector<16xf32>,
          %scan3A_260 = arith.constant 0 : i32
          scf.yield %scan3A_260 : i32
        }
        %scan3A_243 = arith.constant 32 : i32
        %mul3A_244 = arith.constant 0 : i32
        %mul3A_245 = arith.muli %scan3A_242, %mul3A_244 : i32
        scf.yield %mul3A_245 : i32
      }
      %scan3A_232 = arith.constant 16 : i32
    }
    %dma_start3A = arith.constant 0 : i32
    %dma_start3A_5 = arith.constant 0 : i32
    %dma_start3A_6 = tpu.memref_slice %arg4[%dma_start3A, %mul3A_2, %dma_start3A_5] : memref<16x512x1024xf32, #tpu.memory_space<hbm>> -> memref<1x16x1024xf32, #tpu.memory_space<hbm>>
    %dma_start3A_7 = tpu.memref_squeeze %dma_start3A_6 : memref<1x16x1024xf32, #tpu.memory_space<hbm>> -> memref<16x1024xf32, #tpu.memory_space<hbm>>
    %dma_start3A_8 = arith.constant 0 : i32
    %dma_start3A_9 = tpu.memref_slice %arg4[%dma_start3A, %mul3A_2, %dma_start3A_8] : memref<16x512x1024xf32, #tpu.memory_space<hbm>> -> memref<1x16x1024xf32, #tpu.memory_space<hbm>>
    %dma_start3A_10 = tpu.memref_squeeze %dma_start3A_9 : memref<1x16x1024xf32, #tpu.memory_space<hbm>> -> memref<16x1024xf32, #tpu.memory_space<hbm>>
    tpu.enqueue_dma source(%arg7 : memref<16x1024xf32, #tpu.memory_space<vmem>>) target(%dma_start3A_10 : memref<16x1024xf32, #tpu.memory_space<hbm>>) target_semaphore(%arg8 : memref<!tpu.dma_semaphore, #tpu.memory_space<semaphore_mem>>)
    %dma_start3A_11 = arith.constant 1 : i32
    %dma_start3A_12 = arith.constant 0 : i32
    %dma_start3A_13 = tpu.memref_slice %arg4[%dma_start3A_11, %mul3A_2, %dma_start3A_12] : memref<16x512x1024xf32, #tpu.memory_space<hbm>> -> memref<1x16x1024xf32, #tpu.memory_space<hbm>>
    %dma_start3A_14 = tpu.memref_squeeze %dma_start3A_13 : memref<1x16x1024xf32, #tpu.memory_space<hbm>> -> memref<16x1024xf32, #tpu.memory_space<hbm>>
    %dma_start3A_15 = arith.constant 0 : i32
    %dma_start3A_16 = tpu.memref_slice %arg4[%dma_start3A_11, %mul3A_2, %dma_start3A_15] : memref<16x512x1024xf32, #tpu.memory_space<hbm>> -> memref<1x16x1024xf32, #tpu.memory_space<hbm>>
    %dma_start3A_17 = tpu.memref_squeeze %dma_start3A_16 : memref<1x16x1024xf32, #tpu.memory_space<hbm>> -> memref<16x1024xf32, #tpu.memory_space<hbm>>
    tpu.enqueue_dma source(%arg7 : memref<16x1024xf32, #tpu.memory_space<vmem>>) target(%dma_start3A_17 : memref<16x1024xf32, #tpu.memory_space<hbm>>) target_semaphore(%arg8 : memref<!tpu.dma_semaphore, #tpu.memory_space<semaphore_mem>>)
    %dma_start3A_18 = arith.constant 2 : i32
    %dma_start3A_19 = arith.constant 0 : i32
    %dma_start3A_20 = tpu.memref_slice %arg4[%dma_start3A_18, %mul3A_2, %dma_start3A_19] : memref<16x512x1024xf32, #tpu.memory_space<hbm>> -> memref<1x16x1024xf32, #tpu.memory_space<hbm>>
    %dma_start3A_21 = tpu.memref_squeeze %dma_start3A_20 : memref<1x16x1024xf32, #tpu.memory_space<hbm>> -> memref<16x1024xf32, #tpu.memory_space<hbm>>
    %dma_start3A_22 = arith.constant 0 : i32
    %dma_start3A_23 = tpu.memref_slice %arg4[%dma_start3A_18, %mul3A_2, %dma_start3A_22] : memref<16x512x1024xf32, #tpu.memory_space<hbm>> -> memref<1x16x1024xf32, #tpu.memory_space<hbm>>
    %dma_start3A_24 = tpu.memref_squeeze %dma_start3A_23 : memref<1x16x1024xf32, #tpu.memory_space<hbm>> -> memref<16x1024xf32, #tpu.memory_space<hbm>>
    tpu.enqueue_dma source(%arg7 : memref<16x1024xf32, #tpu.memory_space<vmem>>) target(%dma_start3A_24 : memref<16x1024xf32, #tpu.memory_space<hbm>>) target_semaphore(%arg8 : memref<!tpu.dma_semaphore, #tpu.memory_space<semaphore_mem>>)
    %dma_start3A_25 = arith.constant 3 : i32
    %dma_start3A_26 = arith.constant 0 : i32
    %dma_start3A_27 = tpu.memref_slice %arg4[%dma_start3A_25, %mul3A_2, %dma_start3A_26] : memref<16x512x1024xf32, #tpu.memory_space<hbm>> -> memref<1x16x1024xf32, #tpu.memory_space<hbm>>
    %dma_start3A_28 = tpu.memref_squeeze %dma_start3A_27 : memref<1x16x1024xf32, #tpu.memory_space<hbm>> -> memref<16x1024xf32, #tpu.memory_space<hbm>>
    %dma_start3A_29 = arith.constant 0 : i32
    %dma_start3A_30 = tpu.memref_slice %arg4[%dma_start3A_25, %mul3A_2, %dma_start3A_29] : memref<16x512x1024xf32, #tpu.memory_space<hbm>> -> memref<1x16x1024xf32, #tpu.memory_space<hbm>>
    %dma_start3A_31 = tpu.memref_squeeze %dma_start3A_30 : memref<1x16x1024xf32, #tpu.memory_space<hbm>> -> memref<16x1024xf32, #tpu.memory_space<hbm>>
    tpu.enqueue_dma source(%arg7 : memref<16x1024xf32, #tpu.memory_space<vmem>>) target(%dma_start3A_31 : memref<16x1024xf32, #tpu.memory_space<hbm>>) target_semaphore(%arg8 : memref<!tpu.dma_semaphore, #tpu.memory_space<semaphore_mem>>)
    %dma_start3A_32 = arith.constant 4 : i32
    %dma_start3A_33 = arith.constant 0 : i32
    %dma_start3A_34 = tpu.memref_slice %arg4[%dma_start3A_32, %mul3A_2, %dma_start3A_33] : memref<16x512x1024xf32, #tpu.memory_space<hbm>> -> memref<1x16x1024xf32, #tpu.memory_space<hbm>>
    %dma_start3A_35 = tpu.memref_squeeze %dma_start3A_34 : memref<1x16x1024xf32, #tpu.memory_space<hbm>> -> memref<16x1024xf32, #tpu.memory_space<hbm>>
    %dma_start3A_36 = arith.constant 0 : i32
    %dma_start3A_37 = tpu.memref_slice %arg4[%dma_start3A_32, %mul3A_2, %dma_start3A_36] : memref<16x512x1024xf32, #tpu.memory_space<hbm>> -> memref<1x16x1024xf32, #tpu.memory_space<hbm>>
    %dma_start3A_38 = tpu.memref_squeeze %dma_start3A_37 : memref<1x16x1024xf32, #tpu.memory_space<hbm>> -> memref<16x1024xf32, #tpu.memory_space<hbm>>
    tpu.enqueue_dma source(%arg7 : memref<16x1024xf32, #tpu.memory_space<vmem>>) target(%dma_start3A_38 : memref<16x1024xf32, #tpu.memory_space<hbm>>) target_semaphore(%arg8 : memref<!tpu.dma_semaphore, #tpu.memory_space<semaphore_mem>>)
    %dma_start3A_39 = arith.constant 5 : i32
    %dma_start3A_40 = arith.constant 0 : i32
    %dma_start3A_41 = tpu.memref_slice %arg4[%dma_start3A_39, %mul3A_2, %dma_start3A_40] : memref<16x512x1024xf32, #tpu.memory_space<hbm>> -> memref<1x16x1024xf32, #tpu.memory_space<hbm>>
    %dma_start3A_42 = tpu.memref_squeeze %dma_start3A_41 : memref<1x16x1024xf32, #tpu.memory_space<hbm>> -> memref<16x1024xf32, #tpu.memory_space<hbm>>
    %dma_start3A_43 = arith.constant 0 : i32
    %dma_start3A_44 = tpu.memref_slice %arg4[%dma_start3A_39, %mul3A_2, %dma_start3A_43] : memref<16x512x1024xf32, #tpu.memory_space<hbm>> -> memref<1x16x1024xf32, #tpu.memory_space<hbm>>
    %dma_start3A_45 = tpu.memref_squeeze %dma_start3A_44 : memref<1x16x1024xf32, #tpu.memory_space<hbm>> -> memref<16x1024xf32, #tpu.memory_space<hbm>>
    tpu.enqueue_dma source(%arg7 : memref<16x1024xf32, #tpu.memory_space<vmem>>) target(%dma_start3A_45 : memref<16x1024xf32, #tpu.memory_space<hbm>>) target_semaphore(%arg8 : memref<!tpu.dma_semaphore, #tpu.memory_space<semaphore_mem>>)
    %dma_start3A_46 = arith.constant 6 : i32
    %dma_start3A_47 = arith.constant 0 : i32
    %dma_start3A_48 = tpu.memref_slice %arg4[%dma_start3A_46, %mul3A_2, %dma_start3A_47] : memref<16x512x1024xf32, #tpu.memory_space<hbm>> -> memref<1x16x1024xf32, #tpu.memory_space<hbm>>
    %dma_start3A_49 = tpu.memref_squeeze %dma_start3A_48 : memref<1x16x1024xf32, #tpu.memory_space<hbm>> -> memref<16x1024xf32, #tpu.memory_space<hbm>>
    %dma_start3A_50 = arith.constant 0 : i32
    %dma_start3A_51 = tpu.memref_slice %arg4[%dma_start3A_46, %mul3A_2, %dma_start3A_50] : memref<16x512x1024xf32, #tpu.memory_space<hbm>> -> memref<1x16x1024xf32, #tpu.memory_space<hbm>>
    %dma_start3A_52 = tpu.memref_squeeze %dma_start3A_51 : memref<1x16x1024xf32, #tpu.memory_space<hbm>> -> memref<16x1024xf32, #tpu.memory_space<hbm>>
    tpu.enqueue_dma source(%arg7 : memref<16x1024xf32, #tpu.memory_space<vmem>>) target(%dma_start3A_52 : memref<16x1024xf32, #tpu.memory_space<hbm>>) target_semaphore(%arg8 : memref<!tpu.dma_semaphore, #tpu.memory_space<semaphore_mem>>)
    %dma_start3A_53 = arith.constant 7 : i32
    %dma_start3A_54 = arith.constant 0 : i32
    %dma_start3A_55 = tpu.memref_slice %arg4[%dma_start3A_53, %mul3A_2, %dma_start3A_54] : memref<16x512x1024xf32, #tpu.memory_space<hbm>> -> memref<1x16x1024xf32, #tpu.memory_space<hbm>>
    %dma_start3A_56 = tpu.memref_squeeze %dma_start3A_55 : memref<1x16x1024xf32, #tpu.memory_space<hbm>> -> memref<16x1024xf32, #tpu.memory_space<hbm>>
    %dma_start3A_57 = arith.constant 0 : i32
    %dma_start3A_58 = tpu.memref_slice %arg4[%dma_start3A_53, %mul3A_2, %dma_start3A_57] : memref<16x512x1024xf32, #tpu.memory_space<hbm>> -> memref<1x16x1024xf32, #tpu.memory_space<hbm>>
    %dma_start3A_59 = tpu.memref_squeeze %dma_start3A_58 : memref<1x16x1024xf32, #tpu.memory_space<hbm>> -> memref<16x1024xf32, #tpu.memory_space<hbm>>
    tpu.enqueue_dma source(%arg7 : memref<16x1024xf32, #tpu.memory_space<vmem>>) target(%dma_start3A_59 : memref<16x1024xf32, #tpu.memory_space<hbm>>) target_semaphore(%arg8 : memref<!tpu.dma_semaphore, #tpu.memory_space<semaphore_mem>>)
    %dma_start3A_60 = arith.constant 8 : i32
    %dma_start3A_61 = arith.constant 0 : i32
    %dma_start3A_62 = tpu.memref_slice %arg4[%dma_start3A_60, %mul3A_2, %dma_start3A_61] : memref<16x512x1024xf32, #tpu.memory_space<hbm>> -> memref<1x16x1024xf32, #tpu.memory_space<hbm>>
    %dma_start3A_63 = tpu.memref_squeeze %dma_start3A_62 : memref<1x16x1024xf32, #tpu.memory_space<hbm>> -> memref<16x1024xf32, #tpu.memory_space<hbm>>
    %dma_start3A_64 = arith.constant 0 : i32
    %dma_start3A_65 = tpu.memref_slice %arg4[%dma_start3A_60, %mul3A_2, %dma_start3A_64] : memref<16x512x1024xf32, #tpu.memory_space<hbm>> -> memref<1x16x1024xf32, #tpu.memory_space<hbm>>
    %dma_start3A_66 = tpu.memref_squeeze %dma_start3A_65 : memref<1x16x1024xf32, #tpu.memory_space<hbm>> -> memref<16x1024xf32, #tpu.memory_space<hbm>>
    tpu.enqueue_dma source(%arg7 : memref<16x1024xf32, #tpu.memory_space<vmem>>) target(%dma_start3A_66 : memref<16x1024xf32, #tpu.memory_space<hbm>>) target_semaphore(%arg8 : memref<!tpu.dma_semaphore, #tpu.memory_space<semaphore_mem>>)
    %dma_start3A_67 = arith.constant 9 : i32
    %dma_start3A_68 = arith.constant 0 : i32
    %dma_start3A_69 = tpu.memref_slice %arg4[%dma_start3A_67, %mul3A_2, %dma_start3A_68] : memref<16x512x1024xf32, #tpu.memory_space<hbm>> -> memref<1x16x1024xf32, #tpu.memory_space<hbm>>
    %dma_start3A_70 = tpu.memref_squeeze %dma_start3A_69 : memref<1x16x1024xf32, #tpu.memory_space<hbm>> -> memref<16x1024xf32, #tpu.memory_space<hbm>>
    %dma_start3A_71 = arith.constant 0 : i32
    %dma_start3A_72 = tpu.memref_slice %arg4[%dma_start3A_67, %mul3A_2, %dma_start3A_71] : memref<16x512x1024xf32, #tpu.memory_space<hbm>> -> memref<1x16x1024xf32, #tpu.memory_space<hbm>>
    %dma_start3A_73 = tpu.memref_squeeze %dma_start3A_72 : memref<1x16x1024xf32, #tpu.memory_space<hbm>> -> memref<16x1024xf32, #tpu.memory_space<hbm>>
    tpu.enqueue_dma source(%arg7 : memref<16x1024xf32, #tpu.memory_space<vmem>>) target(%dma_start3A_73 : memref<16x1024xf32, #tpu.memory_space<hbm>>) target_semaphore(%arg8 : memref<!tpu.dma_semaphore, #tpu.memory_space<semaphore_mem>>)
    %dma_start3A_74 = arith.constant 10 : i32
    %dma_start3A_75 = arith.constant 0 : i32
    %dma_start3A_76 = tpu.memref_slice %arg4[%dma_start3A_74, %mul3A_2, %dma_start3A_75] : memref<16x512x1024xf32, #tpu.memory_space<hbm>> -> memref<1x16x1024xf32, #tpu.memory_space<hbm>>
    %dma_start3A_77 = tpu.memref_squeeze %dma_start3A_76 : memref<1x16x1024xf32, #tpu.memory_space<hbm>> -> memref<16x1024xf32, #tpu.memory_space<hbm>>
    %dma_start3A_78 = arith.constant 0 : i32
    %dma_start3A_79 = tpu.memref_slice %arg4[%dma_start3A_74, %mul3A_2, %dma_start3A_78] : memref<16x512x1024xf32, #tpu.memory_space<hbm>> -> memref<1x16x1024xf32, #tpu.memory_space<hbm>>
    %dma_start3A_80 = tpu.memref_squeeze %dma_start3A_79 : memref<1x16x1024xf32, #tpu.memory_space<hbm>> -> memref<16x1024xf32, #tpu.memory_space<hbm>>
    tpu.enqueue_dma source(%arg7 : memref<16x1024xf32, #tpu.memory_space<vmem>>) target(%dma_start3A_80 : memref<16x1024xf32, #tpu.memory_space<hbm>>) target_semaphore(%arg8 : memref<!tpu.dma_semaphore, #tpu.memory_space<semaphore_mem>>)
    %dma_start3A_81 = arith.constant 11 : i32
    %dma_start3A_82 = arith.constant 0 : i32
    %dma_start3A_83 = tpu.memref_slice %arg4[%dma_start3A_81, %mul3A_2, %dma_start3A_82] : memref<16x512x1024xf32, #tpu.memory_space<hbm>> -> memref<1x16x1024xf32, #tpu.memory_space<hbm>>
    %dma_start3A_84 = tpu.memref_squeeze %dma_start3A_83 : memref<1x16x1024xf32, #tpu.memory_space<hbm>> -> memref<16x1024xf32, #tpu.memory_space<hbm>>
    %dma_start3A_85 = arith.constant 0 : i32
    %dma_start3A_86 = tpu.memref_slice %arg4[%dma_start3A_81, %mul3A_2, %dma_start3A_85] : memref<16x512x1024xf32, #tpu.memory_space<hbm>> -> memref<1x16x1024xf32, #tpu.memory_space<hbm>>
    %dma_start3A_87 = tpu.memref_squeeze %dma_start3A_86 : memref<1x16x1024xf32, #tpu.memory_space<hbm>> -> memref<16x1024xf32, #tpu.memory_space<hbm>>
    tpu.enqueue_dma source(%arg7 : memref<16x1024xf32, #tpu.memory_space<vmem>>) target(%dma_start3A_87 : memref<16x1024xf32, #tpu.memory_space<hbm>>) target_semaphore(%arg8 : memref<!tpu.dma_semaphore, #tpu.memory_space<semaphore_mem>>)
    %dma_start3A_88 = arith.constant 12 : i32
    %dma_start3A_89 = arith.constant 0 : i32
    %dma_start3A_90 = tpu.memref_slice %arg4[%dma_start3A_88, %mul3A_2, %dma_start3A_89] : memref<16x512x1024xf32, #tpu.memory_space<hbm>> -> memref<1x16x1024xf32, #tpu.memory_space<hbm>>
    %dma_start3A_91 = tpu.memref_squeeze %dma_start3A_90 : memref<1x16x1024xf32, #tpu.memory_space<hbm>> -> memref<16x1024xf32, #tpu.memory_space<hbm>>
    %dma_start3A_92 = arith.constant 0 : i32
    %dma_start3A_93 = tpu.memref_slice %arg4[%dma_start3A_88, %mul3A_2, %dma_start3A_92] : memref<16x512x1024xf32, #tpu.memory_space<hbm>> -> memref<1x16x1024xf32, #tpu.memory_space<hbm>>
    %dma_start3A_94 = tpu.memref_squeeze %dma_start3A_93 : memref<1x16x1024xf32, #tpu.memory_space<hbm>> -> memref<16x1024xf32, #tpu.memory_space<hbm>>
    tpu.enqueue_dma source(%arg7 : memref<16x1024xf32, #tpu.memory_space<vmem>>) target(%dma_start3A_94 : memref<16x1024xf32, #tpu.memory_space<hbm>>) target_semaphore(%arg8 : memref<!tpu.dma_semaphore, #tpu.memory_space<semaphore_mem>>)
    %dma_start3A_95 = arith.constant 13 : i32
    %dma_start3A_96 = arith.constant 0 : i32
    %dma_start3A_97 = tpu.memref_slice %arg4[%dma_start3A_95, %mul3A_2, %dma_start3A_96] : memref<16x512x1024xf32, #tpu.memory_space<hbm>> -> memref<1x16x1024xf32, #tpu.memory_space<hbm>>
    %dma_start3A_98 = tpu.memref_squeeze %dma_start3A_97 : memref<1x16x1024xf32, #tpu.memory_space<hbm>> -> memref<16x1024xf32, #tpu.memory_space<hbm>>
    %dma_start3A_99 = arith.constant 0 : i32
    %dma_start3A_100 = tpu.memref_slice %arg4[%dma_start3A_95, %mul3A_2, %dma_start3A_99] : memref<16x512x1024xf32, #tpu.memory_space<hbm>> -> memref<1x16x1024xf32, #tpu.memory_space<hbm>>
    %dma_start3A_101 = tpu.memref_squeeze %dma_start3A_100 : memref<1x16x1024xf32, #tpu.memory_space<hbm>> -> memref<16x1024xf32, #tpu.memory_space<hbm>>
    tpu.enqueue_dma source(%arg7 : memref<16x1024xf32, #tpu.memory_space<vmem>>) target(%dma_start3A_101 : memref<16x1024xf32, #tpu.memory_space<hbm>>) target_semaphore(%arg8 : memref<!tpu.dma_semaphore, #tpu.memory_space<semaphore_mem>>)
    %dma_start3A_102 = arith.constant 14 : i32
    %dma_start3A_103 = arith.constant 0 : i32
    %dma_start3A_104 = tpu.memref_slice %arg4[%dma_start3A_102, %mul3A_2, %dma_start3A_103] : memref<16x512x1024xf32, #tpu.memory_space<hbm>> -> memref<1x16x1024xf32, #tpu.memory_space<hbm>>
    %dma_start3A_105 = tpu.memref_squeeze %dma_start3A_104 : memref<1x16x1024xf32, #tpu.memory_space<hbm>> -> memref<16x1024xf32, #tpu.memory_space<hbm>>
    %dma_start3A_106 = arith.constant 0 : i32
    %dma_start3A_107 = tpu.memref_slice %arg4[%dma_start3A_102, %mul3A_2, %dma_start3A_106] : memref<16x512x1024xf32, #tpu.memory_space<hbm>> -> memref<1x16x1024xf32, #tpu.memory_space<hbm>>
    %dma_start3A_108 = tpu.memref_squeeze %dma_start3A_107 : memref<1x16x1024xf32, #tpu.memory_space<hbm>> -> memref<16x1024xf32, #tpu.memory_space<hbm>>
    tpu.enqueue_dma source(%arg7 : memref<16x1024xf32, #tpu.memory_space<vmem>>) target(%dma_start3A_108 : memref<16x1024xf32, #tpu.memory_space<hbm>>) target_semaphore(%arg8 : memref<!tpu.dma_semaphore, #tpu.memory_space<semaphore_mem>>)
    %dma_start3A_109 = arith.constant 15 : i32
    %dma_start3A_110 = arith.constant 0 : i32
    %dma_start3A_111 = tpu.memref_slice %arg4[%dma_start3A_109, %mul3A_2, %dma_start3A_110] : memref<16x512x1024xf32, #tpu.memory_space<hbm>> -> memref<1x16x1024xf32, #tpu.memory_space<hbm>>
    %dma_start3A_112 = tpu.memref_squeeze %dma_start3A_111 : memref<1x16x1024xf32, #tpu.memory_space<hbm>> -> memref<16x1024xf32, #tpu.memory_space<hbm>>
    %dma_start3A_113 = arith.constant 0 : i32
    %dma_start3A_114 = tpu.memref_slice %arg4[%dma_start3A_109, %mul3A_2, %dma_start3A_113] : memref<16x512x1024xf32, #tpu.memory_space<hbm>> -> memref<1x16x1024xf32, #tpu.memory_space<hbm>>
    %dma_start3A_115 = tpu.memref_squeeze %dma_start3A_114 : memref<1x16x1024xf32, #tpu.memory_space<hbm>> -> memref<16x1024xf32, #tpu.memory_space<hbm>>
    tpu.enqueue_dma source(%arg7 : memref<16x1024xf32, #tpu.memory_space<vmem>>) target(%dma_start3A_115 : memref<16x1024xf32, #tpu.memory_space<hbm>>) target_semaphore(%arg8 : memref<!tpu.dma_semaphore, #tpu.memory_space<semaphore_mem>>)
    %dma_wait3A = arith.constant 0 : i32
    %dma_wait3A_116 = arith.constant 0 : i32
    %dma_wait3A_117 = tpu.memref_slice %arg4[%dma_wait3A, %mul3A_2, %dma_wait3A_116] : memref<16x512x1024xf32, #tpu.memory_space<hbm>> -> memref<1x16x1024xf32, #tpu.memory_space<hbm>>
    %dma_wait3A_118 = tpu.memref_squeeze %dma_wait3A_117 : memref<1x16x1024xf32, #tpu.memory_space<hbm>> -> memref<16x1024xf32, #tpu.memory_space<hbm>>
    %dma_wait3A_119 = arith.constant 0 : i32
    %dma_wait3A_120 = tpu.memref_slice %arg4[%dma_wait3A, %mul3A_2, %dma_wait3A_119] : memref<16x512x1024xf32, #tpu.memory_space<hbm>> -> memref<1x16x1024xf32, #tpu.memory_space<hbm>>
    %dma_wait3A_121 = tpu.memref_squeeze %dma_wait3A_120 : memref<1x16x1024xf32, #tpu.memory_space<hbm>> -> memref<16x1024xf32, #tpu.memory_space<hbm>>
    tpu.wait_dma2 semaphore(%arg8 : memref<!tpu.dma_semaphore, #tpu.memory_space<semaphore_mem>>) src(%arg7 : memref<16x1024xf32, #tpu.memory_space<vmem>>) dst(%dma_wait3A_121 : memref<16x1024xf32, #tpu.memory_space<hbm>>)
    %dma_wait3A_122 = arith.constant 1 : i32
    %dma_wait3A_123 = arith.constant 0 : i32
    %dma_wait3A_124 = tpu.memref_slice %arg4[%dma_wait3A_122, %mul3A_2, %dma_wait3A_123] : memref<16x512x1024xf32, #tpu.memory_space<hbm>> -> memref<1x16x1024xf32, #tpu.memory_space<hbm>>
    %dma_wait3A_125 = tpu.memref_squeeze %dma_wait3A_124 : memref<1x16x1024xf32, #tpu.memory_space<hbm>> -> memref<16x1024xf32, #tpu.memory_space<hbm>>
    %dma_wait3A_126 = arith.constant 0 : i32
    %dma_wait3A_127 = tpu.memref_slice %arg4[%dma_wait3A_122, %mul3A_2, %dma_wait3A_126] : memref<16x512x1024xf32, #tpu.memory_space<hbm>> -> memref<1x16x1024xf32, #tpu.memory_space<hbm>>
    %dma_wait3A_128 = tpu.memref_squeeze %dma_wait3A_127 : memref<1x16x1024xf32, #tpu.memory_space<hbm>> -> memref<16x1024xf32, #tpu.memory_space<hbm>>
    tpu.wait_dma2 semaphore(%arg8 : memref<!tpu.dma_semaphore, #tpu.memory_space<semaphore_mem>>) src(%arg7 : memref<16x1024xf32, #tpu.memory_space<vmem>>) dst(%dma_wait3A_128 : memref<16x1024xf32, #tpu.memory_space<hbm>>)
    %dma_wait3A_129 = arith.constant 2 : i32
    %dma_wait3A_130 = arith.constant 0 : i32
    %dma_wait3A_131 = tpu.memref_slice %arg4[%dma_wait3A_129, %mul3A_2, %dma_wait3A_130] : memref<16x512x1024xf32, #tpu.memory_space<hbm>> -> memref<1x16x1024xf32, #tpu.memory_space<hbm>>
    %dma_wait3A_132 = tpu.memref_squeeze %dma_wait3A_131 : memref<1x16x1024xf32, #tpu.memory_space<hbm>> -> memref<16x1024xf32, #tpu.memory_space<hbm>>
    %dma_wait3A_133 = arith.constant 0 : i32
    %dma_wait3A_134 = tpu.memref_slice %arg4[%dma_wait3A_129, %mul3A_2, %dma_wait3A_133] : memref<16x512x1024xf32, #tpu.memory_space<hbm>> -> memref<1x16x1024xf32, #tpu.memory_space<hbm>>
    %dma_wait3A_135 = tpu.memref_squeeze %dma_wait3A_134 : memref<1x16x1024xf32, #tpu.memory_space<hbm>> -> memref<16x1024xf32, #tpu.memory_space<hbm>>
    tpu.wait_dma2 semaphore(%arg8 : memref<!tpu.dma_semaphore, #tpu.memory_space<semaphore_mem>>) src(%arg7 : memref<16x1024xf32, #tpu.memory_space<vmem>>) dst(%dma_wait3A_135 : memref<16x1024xf32, #tpu.memory_space<hbm>>)
    %dma_wait3A_136 = arith.constant 3 : i32
    %dma_wait3A_137 = arith.constant 0 : i32
    %dma_wait3A_138 = tpu.memref_slice %arg4[%dma_wait3A_136, %mul3A_2, %dma_wait3A_137] : memref<16x512x1024xf32, #tpu.memory_space<hbm>> -> memref<1x16x1024xf32, #tpu.memory_space<hbm>>
    %dma_wait3A_139 = tpu.memref_squeeze %dma_wait3A_138 : memref<1x16x1024xf32, #tpu.memory_space<hbm>> -> memref<16x1024xf32, #tpu.memory_space<hbm>>
    %dma_wait3A_140 = arith.constant 0 : i32
    %dma_wait3A_141 = tpu.memref_slice %arg4[%dma_wait3A_136, %mul3A_2, %dma_wait3A_140] : memref<16x512x1024xf32, #tpu.memory_space<hbm>> -> memref<1x16x1024xf32, #tpu.memory_space<hbm>>
    %dma_wait3A_142 = tpu.memref_squeeze %dma_wait3A_141 : memref<1x16x1024xf32, #tpu.memory_space<hbm>> -> memref<16x1024xf32, #tpu.memory_space<hbm>>
    tpu.wait_dma2 semaphore(%arg8 : memref<!tpu.dma_semaphore, #tpu.memory_space<semaphore_mem>>) src(%arg7 : memref<16x1024xf32, #tpu.memory_space<vmem>>) dst(%dma_wait3A_142 : memref<16x1024xf32, #tpu.memory_space<hbm>>)
    %dma_wait3A_143 = arith.constant 4 : i32
    %dma_wait3A_144 = arith.constant 0 : i32
    %dma_wait3A_145 = tpu.memref_slice %arg4[%dma_wait3A_143, %mul3A_2, %dma_wait3A_144] : memref<16x512x1024xf32, #tpu.memory_space<hbm>> -> memref<1x16x1024xf32, #tpu.memory_space<hbm>>
    %dma_wait3A_146 = tpu.memref_squeeze %dma_wait3A_145 : memref<1x16x1024xf32, #tpu.memory_space<hbm>> -> memref<16x1024xf32, #tpu.memory_space<hbm>>
    %dma_wait3A_147 = arith.constant 0 : i32
    %dma_wait3A_148 = tpu.memref_slice %arg4[%dma_wait3A_143, %mul3A_2, %dma_wait3A_147] : memref<16x512x1024xf32, #tpu.memory_space<hbm>> -> memref<1x16x1024xf32, #tpu.memory_space<hbm>>
    %dma_wait3A_149 = tpu.memref_squeeze %dma_wait3A_148 : memref<1x16x1024xf32, #tpu.memory_space<hbm>> -> memref<16x1024xf32, #tpu.memory_space<hbm>>
    tpu.wait_dma2 semaphore(%arg8 : memref<!tpu.dma_semaphore, #tpu.memory_space<semaphore_mem>>) src(%arg7 : memref<16x1024xf32, #tpu.memory_space<vmem>>) dst(%dma_wait3A_149 : memref<16x1024xf32, #tpu.memory_space<hbm>>)
    %dma_wait3A_150 = arith.constant 5 : i32
    %dma_wait3A_151 = arith.constant 0 : i32
    %dma_wait3A_152 = tpu.memref_slice %arg4[%dma_wait3A_150, %mul3A_2, %dma_wait3A_151] : memref<16x512x1024xf32, #tpu.memory_space<hbm>> -> memref<1x16x1024xf32, #tpu.memory_space<hbm>>
    %dma_wait3A_153 = tpu.memref_squeeze %dma_wait3A_152 : memref<1x16x1024xf32, #tpu.memory_space<hbm>> -> memref<16x1024xf32, #tpu.memory_space<hbm>>
    %dma_wait3A_154 = arith.constant 0 : i32
    %dma_wait3A_155 = tpu.memref_slice %arg4[%dma_wait3A_150, %mul3A_2, %dma_wait3A_154] : memref<16x512x1024xf32, #tpu.memory_space<hbm>> -> memref<1x16x1024xf32, #tpu.memory_space<hbm>>
    %dma_wait3A_156 = tpu.memref_squeeze %dma_wait3A_155 : memref<1x16x1024xf32, #tpu.memory_space<hbm>> -> memref<16x1024xf32, #tpu.memory_space<hbm>>
    tpu.wait_dma2 semaphore(%arg8 : memref<!tpu.dma_semaphore, #tpu.memory_space<semaphore_mem>>) src(%arg7 : memref<16x1024xf32, #tpu.memory_space<vmem>>) dst(%dma_wait3A_156 : memref<16x1024xf32, #tpu.memory_space<hbm>>)
    %dma_wait3A_157 = arith.constant 6 : i32
    %dma_wait3A_158 = arith.constant 0 : i32
    %dma_wait3A_159 = tpu.memref_slice %arg4[%dma_wait3A_157, %mul3A_2, %dma_wait3A_158] : memref<16x512x1024xf32, #tpu.memory_space<hbm>> -> memref<1x16x1024xf32, #tpu.memory_space<hbm>>
    %dma_wait3A_160 = tpu.memref_squeeze %dma_wait3A_159 : memref<1x16x1024xf32, #tpu.memory_space<hbm>> -> memref<16x1024xf32, #tpu.memory_space<hbm>>
    %dma_wait3A_161 = arith.constant 0 : i32
    %dma_wait3A_162 = tpu.memref_slice %arg4[%dma_wait3A_157, %mul3A_2, %dma_wait3A_161] : memref<16x512x1024xf32, #tpu.memory_space<hbm>> -> memref<1x16x1024xf32, #tpu.memory_space<hbm>>
    %dma_wait3A_163 = tpu.memref_squeeze %dma_wait3A_162 : memref<1x16x1024xf32, #tpu.memory_space<hbm>> -> memref<16x1024xf32, #tpu.memory_space<hbm>>
    tpu.wait_dma2 semaphore(%arg8 : memref<!tpu.dma_semaphore, #tpu.memory_space<semaphore_mem>>) src(%arg7 : memref<16x1024xf32, #tpu.memory_space<vmem>>) dst(%dma_wait3A_163 : memref<16x1024xf32, #tpu.memory_space<hbm>>)
    %dma_wait3A_164 = arith.constant 7 : i32
    %dma_wait3A_165 = arith.constant 0 : i32
    %dma_wait3A_166 = tpu.memref_slice %arg4[%dma_wait3A_164, %mul3A_2, %dma_wait3A_165] : memref<16x512x1024xf32, #tpu.memory_space<hbm>> -> memref<1x16x1024xf32, #tpu.memory_space<hbm>>
    %dma_wait3A_167 = tpu.memref_squeeze %dma_wait3A_166 : memref<1x16x1024xf32, #tpu.memory_space<hbm>> -> memref<16x1024xf32, #tpu.memory_space<hbm>>
    %dma_wait3A_168 = arith.constant 0 : i32
    %dma_wait3A_169 = tpu.memref_slice %arg4[%dma_wait3A_164, %mul3A_2, %dma_wait3A_168] : memref<16x512x1024xf32, #tpu.memory_space<hbm>> -> memref<1x16x1024xf32, #tpu.memory_space<hbm>>
    %dma_wait3A_170 = tpu.memref_squeeze %dma_wait3A_169 : memref<1x16x1024xf32, #tpu.memory_space<hbm>> -> memref<16x1024xf32, #tpu.memory_space<hbm>>
    tpu.wait_dma2 semaphore(%arg8 : memref<!tpu.dma_semaphore, #tpu.memory_space<semaphore_mem>>) src(%arg7 : memref<16x1024xf32, #tpu.memory_space<vmem>>) dst(%dma_wait3A_170 : memref<16x1024xf32, #tpu.memory_space<hbm>>)
    %dma_wait3A_171 = arith.constant 8 : i32
    %dma_wait3A_172 = arith.constant 0 : i32
    %dma_wait3A_173 = tpu.memref_slice %arg4[%dma_wait3A_171, %mul3A_2, %dma_wait3A_172] : memref<16x512x1024xf32, #tpu.memory_space<hbm>> -> memref<1x16x1024xf32, #tpu.memory_space<hbm>>
    %dma_wait3A_174 = tpu.memref_squeeze %dma_wait3A_173 : memref<1x16x1024xf32, #tpu.memory_space<hbm>> -> memref<16x1024xf32, #tpu.memory_space<hbm>>
    %dma_wait3A_175 = arith.constant 0 : i32
    %dma_wait3A_176 = tpu.memref_slice %arg4[%dma_wait3A_171, %mul3A_2, %dma_wait3A_175] : memref<16x512x1024xf32, #tpu.memory_space<hbm>> -> memref<1x16x1024xf32, #tpu.memory_space<hbm>>
    %dma_wait3A_177 = tpu.memref_squeeze %dma_wait3A_176 : memref<1x16x1024xf32, #tpu.memory_space<hbm>> -> memref<16x1024xf32, #tpu.memory_space<hbm>>
    tpu.wait_dma2 semaphore(%arg8 : memref<!tpu.dma_semaphore, #tpu.memory_space<semaphore_mem>>) src(%arg7 : memref<16x1024xf32, #tpu.memory_space<vmem>>) dst(%dma_wait3A_177 : memref<16x1024xf32, #tpu.memory_space<hbm>>)
    %dma_wait3A_178 = arith.constant 9 : i32
    %dma_wait3A_179 = arith.constant 0 : i32
    %dma_wait3A_180 = tpu.memref_slice %arg4[%dma_wait3A_178, %mul3A_2, %dma_wait3A_179] : memref<16x512x1024xf32, #tpu.memory_space<hbm>> -> memref<1x16x1024xf32, #tpu.memory_space<hbm>>
    %dma_wait3A_181 = tpu.memref_squeeze %dma_wait3A_180 : memref<1x16x1024xf32, #tpu.memory_space<hbm>> -> memref<16x1024xf32, #tpu.memory_space<hbm>>
    %dma_wait3A_182 = arith.constant 0 : i32
    %dma_wait3A_183 = tpu.memref_slice %arg4[%dma_wait3A_178, %mul3A_2, %dma_wait3A_182] : memref<16x512x1024xf32, #tpu.memory_space<hbm>> -> memref<1x16x1024xf32, #tpu.memory_space<hbm>>
    %dma_wait3A_184 = tpu.memref_squeeze %dma_wait3A_183 : memref<1x16x1024xf32, #tpu.memory_space<hbm>> -> memref<16x1024xf32, #tpu.memory_space<hbm>>
    tpu.wait_dma2 semaphore(%arg8 : memref<!tpu.dma_semaphore, #tpu.memory_space<semaphore_mem>>) src(%arg7 : memref<16x1024xf32, #tpu.memory_space<vmem>>) dst(%dma_wait3A_184 : memref<16x1024xf32, #tpu.memory_space<hbm>>)
    %dma_wait3A_185 = arith.constant 10 : i32
    %dma_wait3A_186 = arith.constant 0 : i32
    %dma_wait3A_187 = tpu.memref_slice %arg4[%dma_wait3A_185, %mul3A_2, %dma_wait3A_186] : memref<16x512x1024xf32, #tpu.memory_space<hbm>> -> memref<1x16x1024xf32, #tpu.memory_space<hbm>>
    %dma_wait3A_188 = tpu.memref_squeeze %dma_wait3A_187 : memref<1x16x1024xf32, #tpu.memory_space<hbm>> -> memref<16x1024xf32, #tpu.memory_space<hbm>>
    %dma_wait3A_189 = arith.constant 0 : i32
    %dma_wait3A_190 = tpu.memref_slice %arg4[%dma_wait3A_185, %mul3A_2, %dma_wait3A_189] : memref<16x512x1024xf32, #tpu.memory_space<hbm>> -> memref<1x16x1024xf32, #tpu.memory_space<hbm>>
    %dma_wait3A_191 = tpu.memref_squeeze %dma_wait3A_190 : memref<1x16x1024xf32, #tpu.memory_space<hbm>> -> memref<16x1024xf32, #tpu.memory_space<hbm>>
    tpu.wait_dma2 semaphore(%arg8 : memref<!tpu.dma_semaphore, #tpu.memory_space<semaphore_mem>>) src(%arg7 : memref<16x1024xf32, #tpu.memory_space<vmem>>) dst(%dma_wait3A_191 : memref<16x1024xf32, #tpu.memory_space<hbm>>)
    %dma_wait3A_192 = arith.constant 11 : i32
    %dma_wait3A_193 = arith.constant 0 : i32
    %dma_wait3A_194 = tpu.memref_slice %arg4[%dma_wait3A_192, %mul3A_2, %dma_wait3A_193] : memref<16x512x1024xf32, #tpu.memory_space<hbm>> -> memref<1x16x1024xf32, #tpu.memory_space<hbm>>
    %dma_wait3A_195 = tpu.memref_squeeze %dma_wait3A_194 : memref<1x16x1024xf32, #tpu.memory_space<hbm>> -> memref<16x1024xf32, #tpu.memory_space<hbm>>
    %dma_wait3A_196 = arith.constant 0 : i32
    %dma_wait3A_197 = tpu.memref_slice %arg4[%dma_wait3A_192, %mul3A_2, %dma_wait3A_196] : memref<16x512x1024xf32, #tpu.memory_space<hbm>> -> memref<1x16x1024xf32, #tpu.memory_space<hbm>>
    %dma_wait3A_198 = tpu.memref_squeeze %dma_wait3A_197 : memref<1x16x1024xf32, #tpu.memory_space<hbm>> -> memref<16x1024xf32, #tpu.memory_space<hbm>>
    tpu.wait_dma2 semaphore(%arg8 : memref<!tpu.dma_semaphore, #tpu.memory_space<semaphore_mem>>) src(%arg7 : memref<16x1024xf32, #tpu.memory_space<vmem>>) dst(%dma_wait3A_198 : memref<16x1024xf32, #tpu.memory_space<hbm>>)
    %dma_wait3A_199 = arith.constant 12 : i32
    %dma_wait3A_200 = arith.constant 0 : i32
    %dma_wait3A_201 = tpu.memref_slice %arg4[%dma_wait3A_199, %mul3A_2, %dma_wait3A_200] : memref<16x512x1024xf32, #tpu.memory_space<hbm>> -> memref<1x16x1024xf32, #tpu.memory_space<hbm>>
    %dma_wait3A_202 = tpu.memref_squeeze %dma_wait3A_201 : memref<1x16x1024xf32, #tpu.memory_space<hbm>> -> memref<16x1024xf32, #tpu.memory_space<hbm>>
    %dma_wait3A_203 = arith.constant 0 : i32
    %dma_wait3A_204 = tpu.memref_slice %arg4[%dma_wait3A_199, %mul3A_2, %dma_wait3A_203] : memref<16x512x1024xf32, #tpu.memory_space<hbm>> -> memref<1x16x1024xf32, #tpu.memory_space<hbm>>
    %dma_wait3A_205 = tpu.memref_squeeze %dma_wait3A_204 : memref<1x16x1024xf32, #tpu.memory_space<hbm>> -> memref<16x1024xf32, #tpu.memory_space<hbm>>
    tpu.wait_dma2 semaphore(%arg8 : memref<!tpu.dma_semaphore, #tpu.memory_space<semaphore_mem>>) src(%arg7 : memref<16x1024xf32, #tpu.memory_space<vmem>>) dst(%dma_wait3A_205 : memref<16x1024xf32, #tpu.memory_space<hbm>>)
    %dma_wait3A_206 = arith.constant 13 : i32
    %dma_wait3A_207 = arith.constant 0 : i32
    %dma_wait3A_208 = tpu.memref_slice %arg4[%dma_wait3A_206, %mul3A_2, %dma_wait3A_207] : memref<16x512x1024xf32, #tpu.memory_space<hbm>> -> memref<1x16x1024xf32, #tpu.memory_space<hbm>>
    %dma_wait3A_209 = tpu.memref_squeeze %dma_wait3A_208 : memref<1x16x1024xf32, #tpu.memory_space<hbm>> -> memref<16x1024xf32, #tpu.memory_space<hbm>>
    %dma_wait3A_210 = arith.constant 0 : i32
    %dma_wait3A_211 = tpu.memref_slice %arg4[%dma_wait3A_206, %mul3A_2, %dma_wait3A_210] : memref<16x512x1024xf32, #tpu.memory_space<hbm>> -> memref<1x16x1024xf32, #tpu.memory_space<hbm>>
    %dma_wait3A_212 = tpu.memref_squeeze %dma_wait3A_211 : memref<1x16x1024xf32, #tpu.memory_space<hbm>> -> memref<16x1024xf32, #tpu.memory_space<hbm>>
    tpu.wait_dma2 semaphore(%arg8 : memref<!tpu.dma_semaphore, #tpu.memory_space<semaphore_mem>>) src(%arg7 : memref<16x1024xf32, #tpu.memory_space<vmem>>) dst(%dma_wait3A_212 : memref<16x1024xf32, #tpu.memory_space<hbm>>)
    %dma_wait3A_213 = arith.constant 14 : i32
    %dma_wait3A_214 = arith.constant 0 : i32
    %dma_wait3A_215 = tpu.memref_slice %arg4[%dma_wait3A_213, %mul3A_2, %dma_wait3A_214] : memref<16x512x1024xf32, #tpu.memory_space<hbm>> -> memref<1x16x1024xf32, #tpu.memory_space<hbm>>
    %dma_wait3A_216 = tpu.memref_squeeze %dma_wait3A_215 : memref<1x16x1024xf32, #tpu.memory_space<hbm>> -> memref<16x1024xf32, #tpu.memory_space<hbm>>
    %dma_wait3A_217 = arith.constant 0 : i32
    %dma_wait3A_218 = tpu.memref_slice %arg4[%dma_wait3A_213, %mul3A_2, %dma_wait3A_217] : memref<16x512x1024xf32, #tpu.memory_space<hbm>> -> memref<1x16x1024xf32, #tpu.memory_space<hbm>>
    %dma_wait3A_219 = tpu.memref_squeeze %dma_wait3A_218 : memref<1x16x1024xf32, #tpu.memory_space<hbm>> -> memref<16x1024xf32, #tpu.memory_space<hbm>>
    tpu.wait_dma2 semaphore(%arg8 : memref<!tpu.dma_semaphore, #tpu.memory_space<semaphore_mem>>) src(%arg7 : memref<16x1024xf32, #tpu.memory_space<vmem>>) dst(%dma_wait3A_219 : memref<16x1024xf32, #tpu.memory_space<hbm>>)
    %dma_wait3A_220 = arith.constant 15 : i32
    %dma_wait3A_221 = arith.constant 0 : i32
    %dma_wait3A_222 = tpu.memref_slice %arg4[%dma_wait3A_220, %mul3A_2, %dma_wait3A_221] : memref<16x512x1024xf32, #tpu.memory_space<hbm>> -> memref<1x16x1024xf32, #tpu.memory_space<hbm>>
    %dma_wait3A_223 = tpu.memref_squeeze %dma_wait3A_222 : memref<1x16x1024xf32, #tpu.memory_space<hbm>> -> memref<16x1024xf32, #tpu.memory_space<hbm>>
    %dma_wait3A_224 = arith.constant 0 : i32
    %dma_wait3A_225 = tpu.memref_slice %arg4[%dma_wait3A_220, %mul3A_2, %dma_wait3A_224] : memref<16x512x1024xf32, #tpu.memory_space<hbm>> -> memref<1x16x1024xf32, #tpu.memory_space<hbm>>
    %dma_wait3A_226 = tpu.memref_squeeze %dma_wait3A_225 : memref<1x16x1024xf32, #tpu.memory_space<hbm>> -> memref<16x1024xf32, #tpu.memory_space<hbm>>
    tpu.wait_dma2 semaphore(%arg8 : memref<!tpu.dma_semaphore, #tpu.memory_space<semaphore_mem>>) src(%arg7 : memref<16x1024xf32, #tpu.memory_space<vmem>>) dst(%dma_wait3A_226 : memref<16x1024xf32, #tpu.memory_space<hbm>>)
    return
  }
}

</mosaic_0001>

<sc_bundles>
// kernel: kernel.3.cloned.1.call-start
scs
__scs_entry_jumppad:
0x0: {  	(pc) =	sbr.rel $0x88, $3  }
0x1: {  	(tag) =	ssettag $0x0;
	lr =	simm.s32 $0x1  }
0x2: {  	[smem:$0x3F9F] =	sst lr;
	_ =	strace $0xD0000000  }
0x3: {  	_ = 	snop  }
0x4: {  	_ = 	snop  }
0x5: {  	_ = 	snop  }
0x6: {  	_ = 	snop  }
0x7: {  	_ = 	snop  }
__scs_overlays_trampoline_lowered:
0x8: {  	[smem:$0x3FAE] =	sst s0  }
0x9: {  	[smem:$0x3FAF] =	sst s1  }
0xa: {  	[smem:$0x3FB0] =	sst s2  }
0xb: {  	[smem:$0x3FB1] =	sst s3  }
0xc: {  	[smem:$0x3FB2] =	sst s4  }
0xd: {  	[smem:$0x3FB3] =	sst s5  }
0xe: {  	[smem:$0x3FB4] =	sst s6  }
0xf: {  	[smem:$0x3FB5] =	sst s7  }
0x10: {  	[smem:$0x3FB6] =	sst s8  }
0x11: {  	[smem:$0x3FB7] =	sst s9;
	s0 =	simm.s32 @!p0 $0x0  }
0x12: {  	s1 =	sld [smem:$0x3F9D];
	s0 =	simm.s32 @p0 $0x1  }
0x13: {  	[smem:$0x3FB8] =	sst s0;
	s0 =	simm.s32 @!p1 $0x0  }
0x14: {  	s2 =	sld [smem:$0x3F9C];
	s0 =	simm.s32 @p1 $0x1  }
0x15: {  	[smem:$0x3FB9] =	sst s0;
	s0 =	simm.s32 @!p2 $0x0  }
0x16: {  	s3 =	sld [smem:$0x3FDB];
	s0 =	simm.s32 @p2 $0x1  }
0x17: {  	s4 =	simm.s32 $0x1BF5;
	[smem:$0x3FBB] =	sst s0  }
0x18: {  	s0 =	sld [smem:$0x3F9E];
	_ =	swait.ge [sflag:s4], $0x0  }
0x19: {  	s7 =	sld [smem:$0x3F9F]  }
0x1a: {  	s8 =	sadd.s32 $0xFFFFE003, lr  }
0x1b: {  	s9 =	sadd.s32 $0xFFFFFEF7, lr;
	s5 =	simm.s32 $0xFFFFFFFF;
	p2 =	slt.u32 s8, $0xFFFFF086  }
0x1c: {  	p1 =	slt.u32 s9, $0xF7A;
	s5 =	simm.s32 @!p2 $0x0  }
0x1d: {  	s5 =	simm.s32 @p1 $0x1;
	p0 =	seq.s32 s7, s2  }
0x1e: {  	s7 =	smul.u32 @!p0 $0xF7A, s2;
	p2 =	seq.s32 @!p0 s5, $0x0  }
0x1f: {  	s9 =	smul.u32 $0xF7A, s1;
	s8 =	simm.s32 @!p0 $0x1BF5;
	p2 =	por !p2, p0  }
0x20: {  	[sflag:s8] =	ssyncset.s32 @!p0 $0xFFFFF086;
	s6 =	sadd.s32 @!p0 s3, s7;
	s7 =	simm.s32 @!p0 $0x108  }
0x21: {  	s3 =	sadd.s32 s3, s9;
	s6 =	sadd.s32 @!p0 $0x88, s6;
	s7 =	simm.s32 @p2 $0x1082  }
0x22: {  	[simem:s7], [sflag:s8] =	dma.local @!p0 [hbm:s6], $0xF7A  }
0x23: {  	s9 =	sor.u32 $0xD0000000, s2;
	s6 =	simm.s32 $0x108;
	_ =	swait.ge @!p0 [sflag:s8], $0x0  }
0x24: {  	s3 =	sadd.s32 $0x88, s3;
	s6 =	simm.s32 @!p1 $0x1082;
	[sflag:s4] =	ssyncset.s32 $0xFFFFF086  }
0x25: {  	[simem:s6], [sflag:s4] =	dma.local [hbm:s3], $0xF7A  }
0x26: {  	[smem:$0x3F9F] =	sst s1;
	(tag) =	ssettag s2;
	_ =	strace s9  }
0x27: {  	s1 =	sld [smem:$0x3FAF]  }
0x28: {  	s2 =	sld [smem:$0x3FB0]  }
0x29: {  	s4 =	sld [smem:$0x3FB2]  }
0x2a: {  	p0 =	seq.s32 s5, $0x0;
	s5 =	sld [smem:$0x3FB3]  }
0x2b: {  	s6 =	sld [smem:$0x3FB4]  }
0x2c: {  	s7 =	sld [smem:$0x3FB5]  }
0x2d: {  	s3 =	simm.s32 $0x108;
	s8 =	sld [smem:$0x3FB6]  }
0x2e: {  	s3 =	simm.s32 @!p0 $0x1082;
	s9 =	sld [smem:$0x3FB7]  }
0x2f: {  	lr =	sadd.s32 s0, s3;
	s0 =	sld [smem:$0x3FAE]  }
0x30: {  	s3 =	sld [smem:$0x3FB1]  }
0x31: {  	[smem:$0x3FBA] =	sst s10  }
0x32: {  	s10 =	sld [smem:$0x3FB8];
	_ =	sdelay $0x3  }
0x33: {  	p0 =	seq.s32 s10, $0x1;
	s10 =	sld [smem:$0x3FBA];
	_ =	sdelay $0x3  }
0x34: {  	[smem:$0x3FBA] =	sst s10  }
0x35: {  	s10 =	sld [smem:$0x3FB9];
	_ =	sdelay $0x3  }
0x36: {  	p1 =	seq.s32 s10, $0x1;
	s10 =	sld [smem:$0x3FBA];
	_ =	sdelay $0x3  }
0x37: {  	[smem:$0x3FBA] =	sst s10  }
0x38: {  	s10 =	sld [smem:$0x3FBB]  }
0x39: {  	_ = 	snop;
	(pc) =	sbr.ind lr, $3  }
0x3a: {  	_ = 	snop  }
0x3b: {  	_ = 	snop  }
0x3c: {  	p2 =	seq.s32 s10, $0x1;
	s10 =	sld [smem:$0x3FBA]  }
0x3d: {  	_ =	shalt  }
0x3e: {  	_ =	shalt  }
0x3f: {  	_ =	shalt  }
0x40: {  	_ =	shalt  }
0x41: {  	_ =	shalt  }
0x42: {  	_ =	shalt  }
0x43: {  	_ =	shalt  }
0x44: {  	_ =	shalt  }
0x45: {  	_ =	shalt  }
0x46: {  	_ =	shalt  }
0x47: {  	_ =	shalt  }
0x48: {  	_ =	shalt  }
0x49: {  	_ =	shalt  }
0x4a: {  	_ =	shalt  }
0x4b: {  	_ =	shalt  }
0x4c: {  	_ =	shalt  }
0x4d: {  	_ =	shalt  }
0x4e: {  	_ =	shalt  }
0x4f: {  	_ =	shalt  }
0x50: {  	_ =	shalt  }
0x51: {  	_ =	shalt  }
0x52: {  	_ =	shalt  }
0x53: {  	_ =	shalt  }
0x54: {  	_ =	shalt  }
0x55: {  	_ =	shalt  }
0x56: {  	_ =	shalt  }
0x57: {  	_ =	shalt  }
0x58: {  	_ =	shalt  }
0x59: {  	_ =	shalt  }
0x5a: {  	_ =	shalt  }
0x5b: {  	_ =	shalt  }
0x5c: {  	_ =	shalt  }
0x5d: {  	_ =	shalt  }
0x5e: {  	_ =	shalt  }
0x5f: {  	_ =	shalt  }
0x60: {  	_ =	shalt  }
0x61: {  	_ =	shalt  }
0x62: {  	_ =	shalt  }
0x63: {  	_ =	shalt  }
0x64: {  	_ =	shalt  }
0x65: {  	_ =	shalt  }
0x66: {  	_ =	shalt  }
0x67: {  	_ =	shalt  }
0x68: {  	_ =	shalt  }
0x69: {  	_ =	shalt  }
0x6a: {  	_ =	shalt  }
0x6b: {  	_ =	shalt  }
0x6c: {  	_ =	shalt  }
0x6d: {  	_ =	shalt  }
0x6e: {  	_ =	shalt  }
0x6f: {  	_ =	shalt  }
0x70: {  	_ =	shalt  }
0x71: {  	_ =	shalt  }
0x72: {  	_ =	shalt  }
0x73: {  	_ =	shalt  }
0x74: {  	_ =	shalt  }
0x75: {  	_ =	shalt  }
0x76: {  	_ =	shalt  }
0x77: {  	_ =	shalt  }
0x78: {  	_ =	shalt  }
0x79: {  	_ =	shalt  }
0x7a: {  	_ =	shalt  }
0x7b: {  	_ =	shalt  }
0x7c: {  	_ =	shalt  }
0x7d: {  	_ =	shalt  }
0x7e: {  	_ =	shalt  }
0x7f: {  	_ =	shalt  }
0x80: {  	_ =	shalt  }
0x81: {  	_ =	shalt  }
0x82: {  	_ =	shalt  }
0x83: {  	_ =	shalt  }
0x84: {  	_ =	shalt  }
0x85: {  	_ =	shalt  }
0x86: {  	_ =	shalt  }
0x87: {  	_ =	shalt  }
.Lfunc_end0:
.L_simem_size_0:
called_computation.1_lowered:
.L_overlay_start_0:
0x88: {  	s2 =	sld [smem:$0x3FD9]  }
0x89: {  	s3 =	sld [smem:$0x3FFE];
	_ =	sdelay $0x1  }
0x8a: {  	s1 =	srdreg.scid  }
0x8b: {  	s0 =	sand.u32 $0x1, s1  }
0x8c: {  	s17 =	sshll.u32 s0, $0xA;
	s2 =	sadd.s32 s3, s2  }
0x8d: {  	s2 =	sadd.s32 s2, s17  }
0x8e: {  	[smem:$0x3FC6] =	sst s2  }
0x8f: {  	_ = 	snop  }
0x90: {  	s2 =	sld [smem:$0x3FD0];
	(tm) =	ssettm $0x1  }
0x91: {  	s18 =	sld [smem:$0x3FFB];
	_ =	sdelay $0x3  }
0x92: {  	_ =	strace s18  }
0x93: {  	s3 =	sld [smem:$0x3FFC];
	_ =	sdelay $0x3  }
0x94: {  	_ =	strace s3  }
0x95: {  	s3 =	sld [smem:$0x3FFD];
	_ =	sdelay $0x3  }
0x96: {  	_ =	strace s3  }
0x97: {  	_ =	strace $0x8FFFFFFF  }
0x98: {  	s19 =	sld [smem:$0x3FDB];
	_ =	sdelay $0x1  }
0x99: {  	s4 =	simm.s32 $_scs_section_size  }
0x9a: {  	s5 =	simm.s32 $_size__tile_overlayer_lowered;
	s6 =	simm.s32 $_tile_overlayer_lowered  }
0x9b: {  	s22 =	simm.s32 $0x1BFF;
	s21 =	sshll.u32 s6, $0x1;
	s3 =	sadd.s32 s4, s19  }
0x9c: {  	s7 =	simm.s32 $0x0;
	s20 =	sshll.u32 s5, $0x1;
	s5 =	sadd.s32 s21, s3  }
0x9d: {  	[timem:s7], [sflag:s22] =	dma.local [hbm:s5], s20  }
0x9e: {  	_ =	swait.ge [sflag:s22], s20  }
0x9f: {  	s4 =	ssub.s32 $0x0, s20;
	[sflag:s22] =	ssyncset.done $0x0  }
0xa0: {  	[sflag:s22] =	ssyncadd.s32 s4;
	_ =	sdelay $0x1  }
0xa1: {  	s23 =	simm.s32 $0x1B8B  }
0xa2: {  	_ =	swait.ge [sflag:s23], $0x1  }
0xa3: {  	[sflag:s23] =	ssyncset.done $0x0  }
0xa4: {  	s25 =	simm.s32 $0x1B8E;
	s24 =	sld [smem:$0x3FFE];
	[sflag:s23] =	ssyncadd.s32 $0xFFFFFFFF  }
0xa5: {  	s26 =	simm.s32 $execute0_lowered;
	[smem:$0x3FD2] =	sst s25  }
0xa6: {  	s5 =	sshll.u32 s26, $0x1;
	_ =	strace $0x80000046;
	[dreg:$0x1] =	wrdreg $0xFFFFFFFF  }
0xa7: {  	s28 =	simm.s32 $_size_execute0_lowered;
	s3 =	sadd.s32 s3, s5;
	[dreg:$0x0] =	wrdreg $0x0  }
0xa8: {  	s5 =	sshll.u32 s28, $0x1;
	[dreg:$0x2] =	wrdreg s3  }
0xa9: {  	[dreg:$0x3] =	wrdreg s5  }
0xaa: {  	[dreg:$0x4] =	wrdreg $0xC0  }
0xab: {  	_ =	task [dreg:s7], $0x5FFFF  }
0xac: {  	[dreg:$0x1] =	wrdreg $0xFFFFFFFF  }
0xad: {  	[dreg:$0x0] =	wrdreg $0x60  }
0xae: {  	[dreg:$0x2] =	wrdreg s24  }
0xaf: {  	[dreg:$0x3] =	wrdreg s2  }
0xb0: {  	[dreg:$0x4] =	wrdreg $0x9  }
0xb1: {  	_ =	task.clear_ibuf [dreg:s7], $0x5FFFF;
	_ =	strace $0x90000046  }
0xb2: {  	s29 =	simm.s32 $0x9;
	_ =	strace $0x80000048  }
0xb3: {  	_ =	swait.ge [sflag:s29], $0x1  }
0xb4: {  	[sflag:s29] =	ssyncadd.s32 $0xFFFFFFFF  }
0xb5: {  	_ =	strace $0x90000048  }
0xb6: {  	_ =	sfence  }
0xb7: {  	s30 =	sld [smem:$0x0];
	_ =	sdelay $0x2  }
0xb8: {  	s31 =	sshll.u32 s1, $0xD;
	s1 =	sshrl.u32 s1, $0x2  }
0xb9: {  	s3 =	sand.u32 $0x4000, s31;
	s1 =	sadd.s32 s1, s30  }
0xba: {  	s0 =	sor.u32 s3, s0;
	s1 =	sshll.u32 s1, $0x11  }
0xbb: {  	s0 =	sor.u32 s1, s0  }
0xbc: {  	s0 =	sadd.s32 $0x8F2B, s0  }
0xbd: {  	[sflag:s0] =	ssyncadd.remote.s32 $0x1  }
0xbe: {  	_ =	sfence.sel $0xFFFF  }
0xbf: {  	[dreg:$0x0] =	wrdreg $0xFFFFFFFF;
	(pc) =	sbr.abs _section_cstart, $3  }
0xc0: {  	[dreg:$0x1] =	wrdreg $0xFFFFFFFF  }
0xc1: {  	_ =	task.clear_ibuf [dreg:s7], $0x2FFFF;
	_ =	strace $0x9FFFFFFF  }
0xc2: {  	(tm) =	ssettm $0x7FFFFFFF  }
0xc3: {  	_ =	shalt  }
tec
execute0_lowered:
.L_overlay_start_1:
0x0: {  	(tag) =	ssettag $0x1  }
0x1: {  	s0 =	rddreg [dreg:$0x0]  }
0x2: {  	s5 =	rddreg [dreg:$0x1];
	s2 =	simm.s32 $0x0;
	s3 =	srdreg.scid  }
0x3: {  	s1 =	stileid.u32;
	s24 =	simm.s32 $0x2000;
	s25 =	simm.s32 $0x4000  }
0x4: {  	s26 =	simm.s32 $0x1;
	s28 =	simm.s32 $0x0;
	[smem:$0x7FF] =	sst s2  }
0x5: {  	s19 =	sand.u32 $0x1, s3;
	s4 =	sshll.u32 s1, $0x1;
	s3 =	sadd.s32 $0xC00, s0  }
0x6: {  	s21 =	sshll.u32 s1, $0xC;
	p0 =	sgt.u32 s1, $0x7;
	_ =	strace $0x80000047  }
0x7: {  	s6 =	ssub.s32 $0x2, s19;
	s7 =	sor.u32 s19, s4;
	s4 =	sadd.s32 $0x800, s0  }
0x8: {  	s22 =	sshll.u32 s19, $0xB;
	s29 =	sshrl.u32 s6, $0x1;
	s8 =	sshll.u32 s7, $0xB  }
0x9: {  	s30 =	sshll.u32 s7, $0x4;
	s23 =	sor.u32 s22, s21;
	s0 =	ssub.s32 s6, s29  }
0xa: {  	s5 =	sadd.s32 s5, s8;
	s6 =	sadd.s32 $0xFFFFFF00, s30;
	s31 =	sshrl.u32 s23, $0x2  }
0xb: {  	s23 =	simm.s32 $0x2;
	s7 =	sadd.s32 $0x10000, s5;
	s8 =	sadd.s32 $0x20000, s5  }
.Ltmp0:
0xc: {  	s9 =	sadd.s32 $0x30000, s5;
	s10 =	sadd.s32 $0x40000, s5;
	v0 =	vmov s31;
	(pc) =	sbr.rel .LBB2_1-.Ltmp0, $4  }
0xd: {  	s11 =	sadd.s32 $0x50000, s5;
	s12 =	sadd.s32 $0x60000, s5;
	s13 =	sadd.s32 $0x70000, s5  }
0xe: {  	s14 =	sadd.s32 $0x80000, s5;
	s15 =	sadd.s32 $0x90000, s5;
	s16 =	sadd.s32 $0xA0000, s5  }
0xf: {  	s17 =	sadd.s32 $0xB0000, s5;
	s18 =	sadd.s32 $0xC0000, s5;
	s19 =	sadd.s32 $0xD0000, s5  }
0x10: {  	s20 =	sadd.s32 $0xE0000, s5;
	s21 =	sadd.s32 $0xF0000, s5;
	s22 =	smax.u32 s0, $0x1  }
.LBB2_8:
0x11: {  	[hbm4b:s5+s2] =	stream.linear.scatter [tilespmem:s25], [sflag:$0x1], $0x4000, $0x38;
	[tilespmem:$0x8000] =	vst v63  }
0x12: {  	_ = 	snop  }
0x13: {  	[hbm4b:s7+s2] =	stream.linear.scatter [tilespmem:s25], [sflag:$0x1], $0x4000, $0x38;
	[tilespmem:$0x8000] =	vst v63  }
0x14: {  	_ = 	snop  }
0x15: {  	[hbm4b:s8+s2] =	stream.linear.scatter [tilespmem:s25], [sflag:$0x1], $0x4000, $0x38;
	[tilespmem:$0x8000] =	vst v63  }
0x16: {  	_ = 	snop  }
0x17: {  	[hbm4b:s9+s2] =	stream.linear.scatter [tilespmem:s25], [sflag:$0x1], $0x4000, $0x38;
	[tilespmem:$0x8000] =	vst v63  }
0x18: {  	_ = 	snop  }
0x19: {  	[hbm4b:s10+s2] =	stream.linear.scatter [tilespmem:s25], [sflag:$0x1], $0x4000, $0x38;
	[tilespmem:$0x8000] =	vst v63  }
0x1a: {  	_ = 	snop  }
0x1b: {  	[hbm4b:s11+s2] =	stream.linear.scatter [tilespmem:s25], [sflag:$0x1], $0x4000, $0x38;
	[tilespmem:$0x8000] =	vst v63  }
0x1c: {  	_ = 	snop  }
0x1d: {  	[hbm4b:s12+s2] =	stream.linear.scatter [tilespmem:s25], [sflag:$0x1], $0x4000, $0x38;
	[tilespmem:$0x8000] =	vst v63  }
0x1e: {  	_ = 	snop  }
0x1f: {  	[hbm4b:s13+s2] =	stream.linear.scatter [tilespmem:s25], [sflag:$0x1], $0x4000, $0x38;
	[tilespmem:$0x8000] =	vst v63  }
0x20: {  	_ = 	snop  }
0x21: {  	[hbm4b:s14+s2] =	stream.linear.scatter [tilespmem:s25], [sflag:$0x1], $0x4000, $0x38;
	[tilespmem:$0x8000] =	vst v63  }
0x22: {  	_ = 	snop  }
0x23: {  	[hbm4b:s15+s2] =	stream.linear.scatter [tilespmem:s25], [sflag:$0x1], $0x4000, $0x38;
	[tilespmem:$0x8000] =	vst v63  }
0x24: {  	_ = 	snop  }
0x25: {  	[hbm4b:s16+s2] =	stream.linear.scatter [tilespmem:s25], [sflag:$0x1], $0x4000, $0x38;
	[tilespmem:$0x8000] =	vst v63  }
0x26: {  	_ = 	snop  }
0x27: {  	[hbm4b:s17+s2] =	stream.linear.scatter [tilespmem:s25], [sflag:$0x1], $0x4000, $0x38;
	[tilespmem:$0x8000] =	vst v63  }
0x28: {  	_ = 	snop  }
0x29: {  	[hbm4b:s18+s2] =	stream.linear.scatter [tilespmem:s25], [sflag:$0x1], $0x4000, $0x38;
	[tilespmem:$0x8000] =	vst v63  }
0x2a: {  	_ = 	snop  }
0x2b: {  	[hbm4b:s19+s2] =	stream.linear.scatter [tilespmem:s25], [sflag:$0x1], $0x4000, $0x38;
	[tilespmem:$0x8000] =	vst v63  }
0x2c: {  	_ = 	snop  }
0x2d: {  	[hbm4b:s20+s2] =	stream.linear.scatter [tilespmem:s25], [sflag:$0x1], $0x4000, $0x38;
	[tilespmem:$0x8000] =	vst v63  }
0x2e: {  	_ = 	snop  }
0x2f: {  	[hbm4b:s21+s2] =	stream.linear.scatter [tilespmem:s25], [sflag:$0x1], $0x4000, $0x38;
	[tilespmem:$0x8000] =	vst v63  }
0x30: {  	_ =	swait.ge [sflag:s26], $0x4000  }
0x31: {  	[sflag:s26] =	ssyncset.done $0x0  }
0x32: {  	[sflag:s26] =	ssyncadd.s32 $0xFFFFC000  }
0x33: {  	_ =	swait.ge [sflag:s26], $0x4000  }
0x34: {  	[sflag:s26] =	ssyncset.done $0x0  }
0x35: {  	[sflag:s26] =	ssyncadd.s32 $0xFFFFC000  }
0x36: {  	_ =	swait.ge [sflag:s26], $0x4000  }
0x37: {  	[sflag:s26] =	ssyncset.done $0x0  }
0x38: {  	[sflag:s26] =	ssyncadd.s32 $0xFFFFC000  }
0x39: {  	_ =	swait.ge [sflag:s26], $0x4000  }
0x3a: {  	[sflag:s26] =	ssyncset.done $0x0  }
0x3b: {  	[sflag:s26] =	ssyncadd.s32 $0xFFFFC000  }
0x3c: {  	_ =	swait.ge [sflag:s26], $0x4000  }
0x3d: {  	[sflag:s26] =	ssyncset.done $0x0  }
0x3e: {  	[sflag:s26] =	ssyncadd.s32 $0xFFFFC000  }
0x3f: {  	_ =	swait.ge [sflag:s26], $0x4000  }
0x40: {  	[sflag:s26] =	ssyncset.done $0x0  }
0x41: {  	[sflag:s26] =	ssyncadd.s32 $0xFFFFC000  }
0x42: {  	_ =	swait.ge [sflag:s26], $0x4000  }
0x43: {  	[sflag:s26] =	ssyncset.done $0x0  }
0x44: {  	[sflag:s26] =	ssyncadd.s32 $0xFFFFC000  }
0x45: {  	_ =	swait.ge [sflag:s26], $0x4000  }
0x46: {  	[sflag:s26] =	ssyncset.done $0x0  }
0x47: {  	[sflag:s26] =	ssyncadd.s32 $0xFFFFC000  }
0x48: {  	_ =	swait.ge [sflag:s26], $0x4000  }
0x49: {  	[sflag:s26] =	ssyncset.done $0x0  }
0x4a: {  	[sflag:s26] =	ssyncadd.s32 $0xFFFFC000  }
0x4b: {  	_ =	swait.ge [sflag:s26], $0x4000  }
0x4c: {  	[sflag:s26] =	ssyncset.done $0x0  }
0x4d: {  	[sflag:s26] =	ssyncadd.s32 $0xFFFFC000  }
0x4e: {  	_ =	swait.ge [sflag:s26], $0x4000  }
0x4f: {  	[sflag:s26] =	ssyncset.done $0x0  }
0x50: {  	[sflag:s26] =	ssyncadd.s32 $0xFFFFC000  }
0x51: {  	_ =	swait.ge [sflag:s26], $0x4000  }
0x52: {  	[sflag:s26] =	ssyncset.done $0x0  }
0x53: {  	[sflag:s26] =	ssyncadd.s32 $0xFFFFC000  }
0x54: {  	_ =	swait.ge [sflag:s26], $0x4000  }
0x55: {  	[sflag:s26] =	ssyncset.done $0x0  }
0x56: {  	[sflag:s26] =	ssyncadd.s32 $0xFFFFC000  }
0x57: {  	_ =	swait.ge [sflag:s26], $0x4000  }
0x58: {  	[sflag:s26] =	ssyncset.done $0x0  }
0x59: {  	s28 =	sadd.s32 $0x1, s28;
	[sflag:s26] =	ssyncadd.s32 $0xFFFFC000  }
0x5a: {  	p1 =	sne.s32 s28, s22;
	_ =	swait.ge [sflag:s26], $0x4000  }
.Ltmp1:
0x5b: {  	[sflag:s26] =	ssyncset.done $0x0;
	(pc) =	sbr.rel @!p1 .LBB2_9-.Ltmp1, $4  }
0x5c: {  	[sflag:s26] =	ssyncadd.s32 $0xFFFFC000  }
0x5d: {  	_ =	swait.ge [sflag:s26], $0x4000  }
0x5e: {  	[sflag:s26] =	ssyncset.done $0x0  }
0x5f: {  	[sflag:s26] =	ssyncadd.s32 $0xFFFFC000  }
.LBB2_1:
0x60: {  	[tilespmem:s2], [sflag:$0x2] =	stream.linear.gather [hbm4b:s3+s2], $0x2000, $0x38;
	[tilespmem:$0x8000] =	vst v63  }
0x61: {  	_ =	swait.ge [sflag:s23], $0x2000  }
0x62: {  	[sflag:s23] =	ssyncset.done $0x0  }
.Ltmp2:
0x63: {  	[sflag:s23] =	ssyncadd.s32 $0xFFFFE000;
	(pc) =	sbr.rel @p0 .LBB2_5-.Ltmp2, $4  }
0x64: {  	[tilespmem:s24], [sflag:$0x2] =	stream.linear.gather [hbm4b:s4+s2], $0x2000, $0x38;
	[tilespmem:$0x8000] =	vst v63  }
0x65: {  	_ =	swait.ge [sflag:s23], $0x2000  }
0x66: {  	s30 =	simm.s32 $0x4010;
	[sflag:s23] =	ssyncset.done $0x0  }
0x67: {  	s29 =	simm.s32 $0x4200;
	s31 =	simm.s32 $0x0;
	[sflag:s23] =	ssyncadd.s32 $0xFFFFE000  }
0x68: {  	_ =	sdelay $0x2  }
0x69: {  	s0 =	sshra.s32 s2, $0x2  }
0x6a: {  	v1 =	vld.idx.msk [tilespmem:v0+s0+$0x10 ss:$0x1], $0xffff;
	_ =	sdelay $0x4  }
0x6b: {  	v2 =	vld.idx.msk [tilespmem:v0+s0+$0x0 ss:$0x1], $0xffff;
	[tilespmem:s29+$0x1B0] =	vst v1  }
0x6c: {  	[tilespmem:s29+$0xFFFFFEB0] =	vst v1  }
0x6d: {  	[tilespmem:s29+$0xFFFFFE90] =	vst v1  }
0x6e: {  	[tilespmem:s29+$0xFFFFFE70] =	vst v1  }
0x6f: {  	[tilespmem:s29+$0xFFFFFE50] =	vst v1  }
0x70: {  	[tilespmem:s29+$0xFFFFFE30] =	vst v1  }
0x71: {  	[tilespmem:s29+$0xFFFFFEC0] =	vst v2  }
0x72: {  	[tilespmem:s29+$0xFFFFFEA0] =	vst v2  }
0x73: {  	[tilespmem:s29+$0xFFFFFE80] =	vst v2  }
0x74: {  	[tilespmem:s29+$0xFFFFFE60] =	vst v2  }
0x75: {  	[tilespmem:s29+$0xFFFFFE40] =	vst v2  }
0x76: {  	[tilespmem:s29+$0xFFFFFE20] =	vst v2  }
0x77: {  	[tilespmem:s29+$0xFFFFFE10] =	vst v1  }
0x78: {  	[tilespmem:s29+$0xFFFFFE00] =	vst v2  }
0x79: {  	[tilespmem:s29+$0x1C0] =	vst v2  }
0x7a: {  	[tilespmem:s29+$0x1A0] =	vst v2  }
0x7b: {  	[tilespmem:s29+$0x190] =	vst v1  }
0x7c: {  	[tilespmem:s29+$0x180] =	vst v2  }
0x7d: {  	[tilespmem:s29+$0x170] =	vst v1  }
0x7e: {  	[tilespmem:s29+$0x160] =	vst v2  }
0x7f: {  	[tilespmem:s29+$0x150] =	vst v1  }
0x80: {  	[tilespmem:s29+$0x140] =	vst v2  }
0x81: {  	[tilespmem:s29+$0x130] =	vst v1  }
0x82: {  	[tilespmem:s29+$0x120] =	vst v2  }
0x83: {  	[tilespmem:s29+$0x110] =	vst v1  }
0x84: {  	[tilespmem:s29+$0x100] =	vst v2  }
0x85: {  	[tilespmem:s29+$0xF0] =	vst v1  }
0x86: {  	[tilespmem:s29+$0xE0] =	vst v2  }
0x87: {  	[tilespmem:s29+$0xD0] =	vst v1  }
0x88: {  	[tilespmem:s29+$0xC0] =	vst v2  }
0x89: {  	[tilespmem:s29+$0xB0] =	vst v1  }
0x8a: {  	[tilespmem:s29+$0xA0] =	vst v2  }
0x8b: {  	[tilespmem:s29+$0x90] =	vst v1  }
0x8c: {  	[tilespmem:s29+$0x80] =	vst v2  }
0x8d: {  	[tilespmem:s29+$0x70] =	vst v1  }
0x8e: {  	[tilespmem:s29+$0x60] =	vst v2  }
0x8f: {  	[tilespmem:s29+$0x50] =	vst v1  }
0x90: {  	[tilespmem:s29+$0x40] =	vst v2  }
0x91: {  	[tilespmem:s29+$0x30] =	vst v1  }
0x92: {  	[tilespmem:s29+$0x20] =	vst v2  }
0x93: {  	[tilespmem:s29+$0x10] =	vst v1  }
0x94: {  	[tilespmem:s29+$0x0] =	vst v2  }
0x95: {  	[tilespmem:s29+$0xFFFFFFF0] =	vst v1  }
0x96: {  	[tilespmem:s29+$0xFFFFFFE0] =	vst v2  }
0x97: {  	[tilespmem:s29+$0xFFFFFFD0] =	vst v1  }
0x98: {  	[tilespmem:s29+$0xFFFFFFC0] =	vst v2  }
0x99: {  	[tilespmem:s29+$0xFFFFFFB0] =	vst v1  }
0x9a: {  	[tilespmem:s29+$0xFFFFFFA0] =	vst v2  }
0x9b: {  	[tilespmem:s29+$0xFFFFFF90] =	vst v1  }
0x9c: {  	[tilespmem:s29+$0xFFFFFF80] =	vst v2  }
0x9d: {  	[tilespmem:s29+$0xFFFFFF70] =	vst v1  }
0x9e: {  	[tilespmem:s29+$0xFFFFFF60] =	vst v2  }
0x9f: {  	[tilespmem:s29+$0xFFFFFF50] =	vst v1  }
0xa0: {  	[tilespmem:s29+$0xFFFFFF40] =	vst v2  }
0xa1: {  	[tilespmem:s29+$0xFFFFFF30] =	vst v1  }
0xa2: {  	[tilespmem:s29+$0xFFFFFF20] =	vst v2  }
0xa3: {  	[tilespmem:s29+$0xFFFFFF10] =	vst v1  }
0xa4: {  	[tilespmem:s29+$0xFFFFFF00] =	vst v2  }
0xa5: {  	[tilespmem:s29+$0xFFFFFEF0] =	vst v1  }
0xa6: {  	[tilespmem:s29+$0xFFFFFEE0] =	vst v2  }
0xa7: {  	[tilespmem:s29+$0xFFFFFED0] =	vst v1  }
0xa8: {  	[tilespmem:s29+$0x1D0] =	vst v1  }
0xa9: {  	s30 =	sadd.s32 $0x80, s2;
	[tilespmem:s29+$0x1E0] =	vst v2  }
0xaa: {  	s0 =	sshra.s32 s30, $0x2;
	s30 =	sadd.s32 $0x80, s30;
	[tilespmem:s29+$0x1F0] =	vst v1  }
.LBB2_3:
0xab: {  	p1 =	seq.s32 s30, $0x780;
	v1 =	vld.idx.msk [tilespmem:v0+s0+$0x10 ss:$0x1], $0xffff;
	_ =	sdelay $0x4  }
0xac: {  	s29 =	sadd.s32 $0x400, s29  }
0xad: {  	v2 =	vld.idx.msk [tilespmem:v0+s0+$0x0 ss:$0x1], $0xffff;
	[tilespmem:s29+$0x1B0] =	vst v1  }
0xae: {  	[tilespmem:s29+$0xFFFFFEB0] =	vst v1  }
0xaf: {  	[tilespmem:s29+$0xFFFFFE90] =	vst v1  }
0xb0: {  	[tilespmem:s29+$0xFFFFFE70] =	vst v1  }
0xb1: {  	[tilespmem:s29+$0xFFFFFE50] =	vst v1  }
0xb2: {  	[tilespmem:s29+$0xFFFFFE30] =	vst v1  }
0xb3: {  	[tilespmem:s29+$0xFFFFFEC0] =	vst v2  }
0xb4: {  	[tilespmem:s29+$0xFFFFFEA0] =	vst v2  }
0xb5: {  	[tilespmem:s29+$0xFFFFFE80] =	vst v2  }
0xb6: {  	[tilespmem:s29+$0xFFFFFE60] =	vst v2  }
0xb7: {  	[tilespmem:s29+$0xFFFFFE40] =	vst v2  }
0xb8: {  	[tilespmem:s29+$0xFFFFFE20] =	vst v2  }
0xb9: {  	[tilespmem:s29+$0xFFFFFE10] =	vst v1  }
0xba: {  	[tilespmem:s29+$0xFFFFFE00] =	vst v2  }
0xbb: {  	[tilespmem:s29+$0x1C0] =	vst v2  }
0xbc: {  	[tilespmem:s29+$0x1A0] =	vst v2  }
0xbd: {  	[tilespmem:s29+$0x190] =	vst v1  }
0xbe: {  	[tilespmem:s29+$0x180] =	vst v2  }
0xbf: {  	[tilespmem:s29+$0x170] =	vst v1  }
0xc0: {  	[tilespmem:s29+$0x160] =	vst v2  }
0xc1: {  	[tilespmem:s29+$0x150] =	vst v1  }
0xc2: {  	[tilespmem:s29+$0x140] =	vst v2  }
0xc3: {  	[tilespmem:s29+$0x130] =	vst v1  }
0xc4: {  	[tilespmem:s29+$0x120] =	vst v2  }
0xc5: {  	[tilespmem:s29+$0x110] =	vst v1  }
0xc6: {  	[tilespmem:s29+$0x100] =	vst v2  }
0xc7: {  	[tilespmem:s29+$0xF0] =	vst v1  }
0xc8: {  	[tilespmem:s29+$0xE0] =	vst v2  }
0xc9: {  	[tilespmem:s29+$0xD0] =	vst v1  }
0xca: {  	[tilespmem:s29+$0xC0] =	vst v2  }
0xcb: {  	[tilespmem:s29+$0xB0] =	vst v1  }
0xcc: {  	[tilespmem:s29+$0xA0] =	vst v2  }
0xcd: {  	[tilespmem:s29+$0x90] =	vst v1  }
0xce: {  	[tilespmem:s29+$0x80] =	vst v2  }
0xcf: {  	[tilespmem:s29+$0x70] =	vst v1  }
0xd0: {  	[tilespmem:s29+$0x60] =	vst v2  }
0xd1: {  	[tilespmem:s29+$0x50] =	vst v1  }
0xd2: {  	[tilespmem:s29+$0x40] =	vst v2  }
0xd3: {  	[tilespmem:s29+$0x30] =	vst v1  }
0xd4: {  	[tilespmem:s29+$0x20] =	vst v2  }
0xd5: {  	[tilespmem:s29+$0x10] =	vst v1  }
0xd6: {  	[tilespmem:s29+$0x0] =	vst v2  }
0xd7: {  	[tilespmem:s29+$0xFFFFFFF0] =	vst v1  }
0xd8: {  	[tilespmem:s29+$0xFFFFFFE0] =	vst v2  }
0xd9: {  	[tilespmem:s29+$0xFFFFFFD0] =	vst v1  }
0xda: {  	[tilespmem:s29+$0xFFFFFFC0] =	vst v2  }
0xdb: {  	[tilespmem:s29+$0xFFFFFFB0] =	vst v1  }
0xdc: {  	[tilespmem:s29+$0xFFFFFFA0] =	vst v2  }
0xdd: {  	[tilespmem:s29+$0xFFFFFF90] =	vst v1  }
0xde: {  	[tilespmem:s29+$0xFFFFFF80] =	vst v2  }
0xdf: {  	[tilespmem:s29+$0xFFFFFF70] =	vst v1  }
0xe0: {  	[tilespmem:s29+$0xFFFFFF60] =	vst v2  }
0xe1: {  	[tilespmem:s29+$0xFFFFFF50] =	vst v1  }
0xe2: {  	[tilespmem:s29+$0xFFFFFF40] =	vst v2  }
0xe3: {  	[tilespmem:s29+$0xFFFFFF30] =	vst v1  }
0xe4: {  	[tilespmem:s29+$0xFFFFFF20] =	vst v2  }
0xe5: {  	[tilespmem:s29+$0xFFFFFF10] =	vst v1  }
0xe6: {  	[tilespmem:s29+$0xFFFFFF00] =	vst v2  }
0xe7: {  	[tilespmem:s29+$0xFFFFFEF0] =	vst v1  }
.Ltmp3:
0xe8: {  	[tilespmem:s29+$0xFFFFFEE0] =	vst v2;
	(pc) =	sbr.rel @!p1 .LBB2_3-.Ltmp3, $4  }
0xe9: {  	[tilespmem:s29+$0xFFFFFED0] =	vst v1  }
0xea: {  	[tilespmem:s29+$0x1D0] =	vst v1  }
0xeb: {  	[tilespmem:s29+$0x1E0] =	vst v2  }
0xec: {  	s0 =	sshra.s32 s30, $0x2;
	s30 =	sadd.s32 $0x80, s30;
	[tilespmem:s29+$0x1F0] =	vst v1  }
0xed: {  	_ =	sdelay $0x3  }
0xee: {  	v1 =	vld.idx.msk [tilespmem:v0+s0+$0x10 ss:$0x1], $0xffff;
	_ =	sdelay $0x3  }
0xef: {  	s29 =	sadd.s32 $0x400, s29  }
0xf0: {  	v2 =	vld.idx.msk [tilespmem:v0+s0+$0x0 ss:$0x1], $0xffff;
	[tilespmem:s29+$0x1B0] =	vst v1  }
0xf1: {  	[tilespmem:s29+$0xFFFFFEB0] =	vst v1  }
0xf2: {  	[tilespmem:s29+$0xFFFFFE90] =	vst v1  }
0xf3: {  	[tilespmem:s29+$0xFFFFFE70] =	vst v1  }
0xf4: {  	[tilespmem:s29+$0xFFFFFE50] =	vst v1  }
0xf5: {  	[tilespmem:s29+$0xFFFFFE30] =	vst v1  }
0xf6: {  	[tilespmem:s29+$0xFFFFFEC0] =	vst v2  }
0xf7: {  	[tilespmem:s29+$0xFFFFFEA0] =	vst v2  }
0xf8: {  	[tilespmem:s29+$0xFFFFFE80] =	vst v2  }
0xf9: {  	[tilespmem:s29+$0xFFFFFE60] =	vst v2  }
0xfa: {  	[tilespmem:s29+$0xFFFFFE40] =	vst v2  }
0xfb: {  	[tilespmem:s29+$0xFFFFFE20] =	vst v2  }
0xfc: {  	[tilespmem:s29+$0xFFFFFE10] =	vst v1  }
0xfd: {  	[tilespmem:s29+$0xFFFFFE00] =	vst v2  }
0xfe: {  	[tilespmem:s29+$0x1C0] =	vst v2  }
0xff: {  	[tilespmem:s29+$0x1A0] =	vst v2  }
0x100: {  	[tilespmem:s29+$0x190] =	vst v1  }
0x101: {  	[tilespmem:s29+$0x180] =	vst v2  }
0x102: {  	[tilespmem:s29+$0x170] =	vst v1  }
0x103: {  	[tilespmem:s29+$0x160] =	vst v2  }
0x104: {  	[tilespmem:s29+$0x150] =	vst v1  }
0x105: {  	[tilespmem:s29+$0x140] =	vst v2  }
0x106: {  	[tilespmem:s29+$0x130] =	vst v1  }
0x107: {  	[tilespmem:s29+$0x120] =	vst v2  }
0x108: {  	[tilespmem:s29+$0x110] =	vst v1  }
0x109: {  	[tilespmem:s29+$0x100] =	vst v2  }
0x10a: {  	[tilespmem:s29+$0xF0] =	vst v1  }
0x10b: {  	[tilespmem:s29+$0xE0] =	vst v2  }
0x10c: {  	[tilespmem:s29+$0xD0] =	vst v1  }
0x10d: {  	[tilespmem:s29+$0xC0] =	vst v2  }
0x10e: {  	[tilespmem:s29+$0xB0] =	vst v1  }
0x10f: {  	[tilespmem:s29+$0xA0] =	vst v2  }
0x110: {  	[tilespmem:s29+$0x90] =	vst v1  }
0x111: {  	[tilespmem:s29+$0x80] =	vst v2  }
0x112: {  	[tilespmem:s29+$0x70] =	vst v1  }
0x113: {  	[tilespmem:s29+$0x60] =	vst v2  }
0x114: {  	[tilespmem:s29+$0x50] =	vst v1  }
0x115: {  	[tilespmem:s29+$0x40] =	vst v2  }
0x116: {  	[tilespmem:s29+$0x30] =	vst v1  }
0x117: {  	[tilespmem:s29+$0x20] =	vst v2  }
0x118: {  	[tilespmem:s29+$0x10] =	vst v1  }
0x119: {  	[tilespmem:s29+$0x0] =	vst v2  }
0x11a: {  	[tilespmem:s29+$0xFFFFFFF0] =	vst v1  }
0x11b: {  	[tilespmem:s29+$0xFFFFFFE0] =	vst v2  }
0x11c: {  	[tilespmem:s29+$0xFFFFFFD0] =	vst v1  }
0x11d: {  	[tilespmem:s29+$0xFFFFFFC0] =	vst v2  }
0x11e: {  	[tilespmem:s29+$0xFFFFFFB0] =	vst v1  }
0x11f: {  	[tilespmem:s29+$0xFFFFFFA0] =	vst v2  }
0x120: {  	[tilespmem:s29+$0xFFFFFF90] =	vst v1  }
0x121: {  	[tilespmem:s29+$0xFFFFFF80] =	vst v2  }
0x122: {  	[tilespmem:s29+$0xFFFFFF70] =	vst v1  }
0x123: {  	[tilespmem:s29+$0xFFFFFF60] =	vst v2  }
0x124: {  	[tilespmem:s29+$0xFFFFFF50] =	vst v1  }
0x125: {  	[tilespmem:s29+$0xFFFFFF40] =	vst v2  }
0x126: {  	[tilespmem:s29+$0xFFFFFF30] =	vst v1  }
0x127: {  	[tilespmem:s29+$0xFFFFFF20] =	vst v2  }
0x128: {  	[tilespmem:s29+$0xFFFFFF10] =	vst v1  }
0x129: {  	[tilespmem:s29+$0xFFFFFF00] =	vst v2  }
0x12a: {  	[tilespmem:s29+$0xFFFFFEF0] =	vst v1  }
.Ltmp4:
0x12b: {  	[tilespmem:s29+$0xFFFFFEE0] =	vst v2;
	(pc) =	sbr.rel .LBB2_8-.Ltmp4, $4  }
0x12c: {  	[tilespmem:s29+$0xFFFFFED0] =	vst v1  }
0x12d: {  	[tilespmem:s29+$0x1D0] =	vst v1  }
0x12e: {  	[tilespmem:s29+$0x1E0] =	vst v2  }
0x12f: {  	[tilespmem:s29+$0x1F0] =	vst v1  }
.LBB2_5:
0x130: {  	s0 =	sadd.s32 s6, s31;
	s29 =	simm.s32 $0x0  }
0x131: {  	s0 =	sshll.u32 s0, $0x5;
	v2 =	vmov s29  }
0x132: {  	v1 =	vmov s0;
	v2 =	vand.u32 $0x1F, v2  }
0x133: {  	v2 =	vor.u32 v1, v2  }
0x134: {  	v2 =	vbroadcast v2, $0x0;
	_ =	sdelay $0x4  }
0x135: {  	s0 =	simm.s32 $0x1  }
0x136: {  	v4 =	vld.idx.msk [tilespmem:v2+s24+$0x0], $0xffff;
	v2 =	vmov s0  }
0x137: {  	v2 =	vand.u32 $0x1F, v2  }
0x138: {  	v2 =	vor.u32 v1, v2  }
0x139: {  	v2 =	vbroadcast v2, $0x0;
	_ =	sdelay $0x3  }
0x13a: {  	s0 =	simm.s32 $0x2;
	[tilespmem:s30+$0xFFFFFFF0] =	vst v4  }
0x13b: {  	s29 =	smov.u32 s30;
	v3 =	vmov s0;
	s0 =	simm.s32 $0x3;
	[tilespmem:s30+$0x0] =	vst v4  }
.LBB2_6:
0x13c: {  	p1 =	sne.s32 s0, $0x1F;
	v3 =	vand.u32 $0x1F, v3;
	v4 =	vld.idx.msk [tilespmem:v2+s24+$0x0], $0xffff  }
0x13d: {  	v2 =	vor.u32 v1, v3  }
0x13e: {  	v2 =	vbroadcast v2, $0x0  }
.Ltmp5:
0x13f: {  	(pc) =	sbr.rel @p1 .LBB2_6-.Ltmp5, $4  }
0x140: {  	_ = 	snop  }
0x141: {  	s29 =	sadd.s32 $0x20, s29  }
0x142: {  	[tilespmem:s29+$0xFFFFFFF0] =	vst v4  }
0x143: {  	v3 =	vmov s0;
	s0 =	sadd.s32 $0x1, s0;
	[tilespmem:s29+$0x0] =	vst v4  }
0x144: {  	_ =	sdelay $0x2  }
0x145: {  	v3 =	vand.u32 $0x1F, v3  }
0x146: {  	v2 =	vld.idx.msk [tilespmem:v2+s24+$0x0], $0xffff;
	v1 =	vor.u32 v1, v3  }
0x147: {  	v1 =	vbroadcast v1, $0x0;
	_ =	sdelay $0x2  }
0x148: {  	s0 =	sadd.s32 $0x20, s29  }
0x149: {  	[tilespmem:s0+$0xFFFFFFF0] =	vst v2  }
0x14a: {  	[tilespmem:s0+$0x0] =	vst v2  }
0x14b: {  	s31 =	sadd.s32 $0x1, s31;
	v1 =	vld.idx.msk [tilespmem:v1+s24+$0x0], $0xffff  }
0x14c: {  	p1 =	sne.s32 s31, $0x10  }
.Ltmp6:
0x14d: {  	_ = 	snop;
	(pc) =	sbr.rel @p1 .LBB2_5-.Ltmp6, $4  }
.Ltmp7:
0x14e: {  	_ = 	snop;
	(pc) =	sbr.rel @!p1 .LBB2_8-.Ltmp7, $4  }
0x14f: {  	s0 =	sadd.s32 $0x20, s0  }
0x150: {  	[tilespmem:s0+$0xFFFFFFF0] =	vst v1  }
0x151: {  	s30 =	sadd.s32 $0x400, s30;
	[tilespmem:s0+$0x0] =	vst v1  }
0x152: {  	_ = 	snop  }
.LBB2_9:
0x153: {  	_ =	sfence.sel $0x180000  }
0x154: {  	[bflag:$0x0] =	sbarrier.arrive $0xFFFF  }
0x155: {  	_ =	strace $0x90000047  }
0x156: {  	[bflag:$0x2] =	sbarrier.arrive $0xFFFF  }
0x157: {  	p0 =	sne.s32 s1, $0x0;
	s0 =	rddreg [dreg:$0x2]  }
0x158: {  	s0 =	sadd.s32 @!p0 $0x100000, s0  }
0x159: {  	[sflag:s0] =	ssyncadd.tile.s32 @!p0 $0x1;
	_ =	shalt  }
.Lfunc_end2:
_tile_overlayer_lowered:
.L_overlay_start_2:
0x15a: {  	(tag) =	ssettag $0x2  }
0x15b: {  	s0 =	rddreg [dreg:$0x0];
	s2 =	stileid.u32  }
0x15c: {  	s1 =	rddreg [dreg:$0x1];
	p0 =	sne.s32 s2, $0x0  }
0x15d: {  	s3 =	rddreg [dreg:$0x2];
	[bflag:$0x3] =	sbarrier.arrive $0xFFFF;
	s2 =	simm.s32 @!p0 $0x1C02  }
0x15e: {  	[timem:s3], [sflag:s2] =	dma.local @!p0 [hbm:s0], s1  }
0x15f: {  	s0 =	simm.s32 @!p0 $0x2  }
0x160: {  	_ =	swait.ge @!p0 [sflag:s0], s1  }
0x161: {  	s1 =	ssub.s32 @!p0 $0x0, s1;
	[sflag:s0] =	ssyncset.done @!p0 $0x0  }
0x162: {  	[sflag:s0] =	ssyncadd.s32 @!p0 s1  }
0x163: {  	[bflag:$0x3] =	sbarrier.arrive $0xFFFF  }
0x164: {  	_ =	shalt  }

// kernel: sparse-core-data-format-call.cloned.1.call-start
scs
called_computation_lowered:
.L_overlay_start_0:
0x0: {  	s2 =	sld [smem:$0x3FD9]  }
0x1: {  	s3 =	sld [smem:$0x3FFE];
	_ =	sdelay $0x1  }
0x2: {  	s1 =	srdreg.scid  }
0x3: {  	s0 =	sand.u32 $0x1, s1  }
0x4: {  	s18 =	sshll.u32 s0, $0xA;
	s2 =	sadd.s32 s3, s2  }
0x5: {  	s2 =	sadd.s32 s2, s18  }
0x6: {  	[smem:$0x3FC6] =	sst s2  }
0x7: {  	_ = 	snop  }
0x8: {  	s2 =	sld [smem:$0x3FD0];
	(tm) =	ssettm $0x1  }
0x9: {  	s19 =	sld [smem:$0x3FFB];
	_ =	sdelay $0x3  }
0xa: {  	_ =	strace s19  }
0xb: {  	s3 =	sld [smem:$0x3FFC];
	_ =	sdelay $0x3  }
0xc: {  	_ =	strace s3  }
0xd: {  	s3 =	sld [smem:$0x3FFD];
	_ =	sdelay $0x3  }
0xe: {  	_ =	strace s3  }
0xf: {  	_ =	strace $0x8FFFFFFF  }
0x10: {  	s20 =	sld [smem:$0x3FDB];
	_ =	sdelay $0x1  }
0x11: {  	s4 =	simm.s32 $_scs_section_size  }
0x12: {  	s5 =	simm.s32 $_size__tile_overlayer_lowered;
	s6 =	simm.s32 $_tile_overlayer_lowered  }
0x13: {  	s23 =	simm.s32 $0x1BFF;
	s22 =	sshll.u32 s6, $0x1;
	s3 =	sadd.s32 s4, s20  }
0x14: {  	s7 =	simm.s32 $0x0;
	s21 =	sshll.u32 s5, $0x1;
	s5 =	sadd.s32 s22, s3  }
0x15: {  	[timem:s7], [sflag:s23] =	dma.local [hbm:s5], s21  }
0x16: {  	_ =	swait.ge [sflag:s23], s21  }
0x17: {  	s4 =	ssub.s32 $0x0, s21;
	[sflag:s23] =	ssyncset.done $0x0  }
0x18: {  	[sflag:s23] =	ssyncadd.s32 s4;
	_ =	sdelay $0x1  }
0x19: {  	s24 =	simm.s32 $0x1B8B  }
0x1a: {  	_ =	swait.ge [sflag:s24], $0x1  }
0x1b: {  	[sflag:s24] =	ssyncset.done $0x0  }
0x1c: {  	s26 =	simm.s32 $0x1B8E;
	s25 =	sld [smem:$0x3FFE];
	[sflag:s24] =	ssyncadd.s32 $0xFFFFFFFF  }
0x1d: {  	s27 =	simm.s32 $execute0_lowered;
	[smem:$0x3FD2] =	sst s26  }
0x1e: {  	s5 =	sshll.u32 s27, $0x1;
	_ =	strace $0x80000049;
	[dreg:$0x1] =	wrdreg $0xFFFFFFFF  }
0x1f: {  	s28 =	simm.s32 $_size_execute0_lowered;
	s3 =	sadd.s32 s3, s5;
	[dreg:$0x0] =	wrdreg $0x0  }
0x20: {  	s5 =	sshll.u32 s28, $0x1;
	[dreg:$0x2] =	wrdreg s3  }
0x21: {  	[dreg:$0x3] =	wrdreg s5  }
0x22: {  	[dreg:$0x4] =	wrdreg $0xC0  }
0x23: {  	_ =	task [dreg:s7], $0x5FFFF  }
0x24: {  	[dreg:$0x1] =	wrdreg $0xFFFFFFFF  }
0x25: {  	[dreg:$0x0] =	wrdreg $0x60  }
0x26: {  	[dreg:$0x2] =	wrdreg s25  }
0x27: {  	[dreg:$0x3] =	wrdreg s2  }
0x28: {  	[dreg:$0x4] =	wrdreg $0x9  }
0x29: {  	_ =	task.clear_ibuf [dreg:s7], $0x5FFFF;
	_ =	strace $0x90000049  }
0x2a: {  	s29 =	simm.s32 $0x9;
	_ =	strace $0x8000004B  }
0x2b: {  	_ =	swait.ge [sflag:s29], $0x1  }
0x2c: {  	[sflag:s29] =	ssyncadd.s32 $0xFFFFFFFF  }
0x2d: {  	_ =	strace $0x9000004B  }
0x2e: {  	_ =	sfence  }
0x2f: {  	s30 =	sld [smem:$0x0];
	_ =	sdelay $0x2  }
0x30: {  	s31 =	sshll.u32 s1, $0xD;
	s1 =	sshrl.u32 s1, $0x2  }
0x31: {  	s3 =	sand.u32 $0x4000, s31;
	s1 =	sadd.s32 s1, s30  }
0x32: {  	s0 =	sor.u32 s3, s0;
	s1 =	sshll.u32 s1, $0x11  }
0x33: {  	s0 =	sor.u32 s1, s0  }
0x34: {  	s0 =	sadd.s32 $0x8F2B, s0  }
0x35: {  	[sflag:s0] =	ssyncadd.remote.s32 $0x1  }
0x36: {  	_ =	sfence.sel $0xFFFF  }
0x37: {  	[dreg:$0x0] =	wrdreg $0xFFFFFFFF;
	(pc) =	sbr.abs _section_cstart, $3  }
0x38: {  	[dreg:$0x1] =	wrdreg $0xFFFFFFFF  }
0x39: {  	_ =	task.clear_ibuf [dreg:s7], $0x2FFFF;
	_ =	strace $0x9FFFFFFF  }
0x3a: {  	(tm) =	ssettm $0x7FFFFFFF  }
0x3b: {  	_ =	shalt  }
tec
execute0_lowered:
.L_overlay_start_1:
0x0: {  	(tag) =	ssettag $0x1  }
0x1: {  	s3 =	rddreg [dreg:$0x0]  }
0x2: {  	s0 =	srdreg.scid;
	s1 =	rddreg [dreg:$0x1]  }
0x3: {  	s5 =	simm.s32 $0x1;
	s7 =	simm.s32 $0x2;
	s15 =	simm.s32 $0x0  }
0x4: {  	p0 =	por $0x0, $0x0;
	s8 =	simm.s32 $0x1000;
	s0 =	sshll.u32 s0, $0x7  }
0x5: {  	s13 =	simm.s32 $0x0;
	s14 =	simm.s32 $0x0;
	s2 =	sand.u32 $0x80, s0  }
0x6: {  	s9 =	simm.s32 $0x0;
	s11 =	stileid.u32;
	s6 =	ssub.s32 $0x200, s2  }
.Ltmp0:
0x7: {  	s12 =	simm.s32 $0x0;
	s31 =	sshrl.u32 s6, $0x7;
	(pc) =	sbr.rel .LBB1_1-.Ltmp0, $4  }
0x8: {  	s4 =	sadd.s32 $0x800, s3;
	s6 =	sshrl.u32 s6, $0x8;
	s3 =	sand.u32 $0x1, s31  }
0x9: {  	s0 =	rddreg [dreg:$0x2];
	_ =	strace $0x8000004A;
	s6 =	sadd.s32 s6, s3  }
0xa: {  	[sflag:s5] =	ssyncpa.u1 $0x0;
	s10 =	smov.u32 s2;
	s6 =	sshll.u32 s6, $0x3  }
0xb: {  	[sflag:s7] =	ssyncpa.u1 $0x0;
	s3 =	stileid.u32;
	s7 =	sor.u32 $0x1, s6  }
.LBB1_4:
0xc: {  	v5 =	vld [tilespmem:s18+$0xFFFFFFD0];
	[tilespmem:s19+$0x2040 ss:$0x81] =	vst.msk $0xffff, v1  }
0xd: {  	v58 =	vld [tilespmem:s18+$0xFFFFFFE0];
	[tilespmem:s19+$0x2850 ss:$0x81] =	vst.msk $0xffff, v2  }
0xe: {  	s20 =	sshra.s32 s20, $0x2;
	v59 =	vld [tilespmem:s18+$0xFFFFFFF0];
	[tilespmem:s19+$0x3060 ss:$0x81] =	vst.msk $0xffff, v3  }
0xf: {  	v60 =	vld [tilespmem:s18+$0x0];
	[tilespmem:s19+$0x0 ss:$0x81] =	vst.msk $0xffff, v0;
	s17 =	sadd.s32 s20, s17  }
0x10: {  	v61 =	vld [tilespmem:s18+$0x10];
	s25 =	sshll.u32 s15, $0x9;
	[tilespmem:s17+$0x3870 ss:$0x81] =	vst.msk $0xffff, v4  }
0x11: {  	s26 =	sshll.u32 s13, $0x3;
	v62 =	vld [tilespmem:s18+$0x20];
	s27 =	sshll.u32 s15, $0x7;
	s30 =	sand.u32 $0x78, s13;
	[tilespmem:s17+$0x810 ss:$0x81] =	vst.msk $0xffff, v5  }
0x12: {  	v63 =	vld [tilespmem:s18+$0xFFFFFFC0];
	s14 =	sshll.u32 s14, $0x10;
	s19 =	sand.u32 $0x7F000, s25;
	s20 =	sand.u32 $0x7FC00, s26;
	[tilespmem:s17+$0x1020 ss:$0x81] =	vst.msk $0xffff, v58  }
0x13: {  	s29 =	sand.u32 $0x200, s27;
	s15 =	sand.u32 $0x180, s27;
	s28 =	sadd.s32 s20, s19;
	[tilespmem:s17+$0x1830 ss:$0x81] =	vst.msk $0xffff, v59  }
0x14: {  	s31 =	sand.u32 $0x7, s13;
	s15 =	sor.u32 s30, s15;
	s18 =	sor.u32 s29, s28;
	[tilespmem:s17+$0x2040 ss:$0x81] =	vst.msk $0xffff, v60  }
0x15: {  	s14 =	sadd.s32 s1, s14;
	s15 =	sshrl.u32 s15, $0x3;
	s18 =	sshrl.u32 s18, $0x3;
	[tilespmem:s17+$0x2850 ss:$0x81] =	vst.msk $0xffff, v61  }
0x16: {  	s13 =	sshll.u32 s31, $0x12;
	s14 =	sadd.s32 s15, s14;
	[tilespmem:s17+$0x3060 ss:$0x81] =	vst.msk $0xffff, v62;
	s18 =	sand.u32 $0xFFC0, s18  }
0x17: {  	s13 =	sor.u32 $0x400, s13;
	[tilespmem:s17+$0x0 ss:$0x81] =	vst.msk $0xffff, v63;
	s14 =	sadd.s32 s18, s14  }
0x18: {  	[hbm4b:s14+s13] =	stream.strided.scatter [tilespmem:s16], [sflag:$0x2], $0x4000, s8, s13, $0x20;
	[tilespmem:$0x10100] =	vst v63  }
.LBB1_5:
0x19: {  	s16 =	sadd.s32 $0x80, s9  }
0x1a: {  	s13 =	sadd.s32 $0x100, s10;
	s17 =	smov.u32 s10;
	p2 =	sgt.s32 s16, $0x3FF  }
0x1b: {  	s17 =	smov.u32 @p2 s13  }
0x1c: {  	s19 =	smov.u32 s11;
	s13 =	sadd.s32 $0x10, s11;
	p3 =	sgt.s32 s17, $0x1FF  }
0x1d: {  	s19 =	smov.u32 @p3 s13  }
0x1e: {  	s16 =	simm.s32 @p2 $0x0;
	p2 =	sgt.s32 s19, $0xF  }
0x1f: {  	p1 =	slt.u32 s12, $0x2;
	s19 =	smov.u32 @p2 s3;
	p2 =	sne.s32 s12, s7  }
.Ltmp1:
0x20: {  	s18 =	simm.s32 @!p1 $0x2;
	(pc) =	sbr.rel @!p2 .LBB1_6-.Ltmp1, $4  }
0x21: {  	s15 =	smov.u32 s9;
	s14 =	smov.u32 s11;
	_ =	swait.ge @!p1 [sflag:s18], $0x4000  }
0x22: {  	p0 =	por !p0, !p0;
	[sflag:s18] =	ssyncset.done @!p1 $0x0;
	s9 =	smov.u32 s16  }
0x23: {  	s17 =	smov.u32 @p3 s2;
	s13 =	smov.u32 s10;
	[sflag:s18] =	ssyncadd.s32 @!p1 $0xFFFFC000  }
0x24: {  	s10 =	smov.u32 s17;
	s12 =	sadd.s32 $0x1, s12;
	s11 =	smov.u32 s19  }
.LBB1_1:
0x25: {  	p1 =	sge.u32 s12, s6  }
0x26: {  	s31 =	sadd.s32 $0xFFFFFFFF, s12;
	s16 =	sshll.u32 @!p1 s10, $0x7  }
0x27: {  	s17 =	sxor.u32 @!p1 $0xFFFFFFFF, s12;
	s18 =	sand.u32 @!p1 $0x78, s9;
	s19 =	sand.u32 @!p1 $0x380, s16  }
0x28: {  	s17 =	sshll.u32 @!p1 s17, $0xE;
	s18 =	sor.u32 @!p1 s18, s19;
	s19 =	sshll.u32 @!p1 s11, $0x10  }
0x29: {  	s16 =	sand.u32 @!p1 $0xFC00, s16;
	s18 =	sshrl.u32 @!p1 s18, $0x3;
	s19 =	sadd.s32 @!p1 s4, s19  }
0x2a: {  	s16 =	sadd.s32 @!p1 s9, s16;
	s18 =	sadd.s32 @!p1 s18, s19;
	s19 =	sand.u32 @!p1 $0x7, s9  }
0x2b: {  	s17 =	sand.u32 @!p1 $0x4000, s17;
	s16 =	sand.u32 @!p1 $0xFF80, s16;
	s19 =	sshll.u32 @!p1 s19, $0x12  }
0x2c: {  	s16 =	sadd.s32 @!p1 s16, s18;
	s18 =	sor.u32 @!p1 $0x400, s19;
	s19 =	simm.s32 @!p1 $0x2000  }
0x2d: {  	[tilespmem:s17], [sflag:$0x1] =	stream.strided.gather @!p1 [hbm4b:s16+s18], $0x4000, s19, s18, $0x38;
	[tilespmem:$0x10100] =	vst v63  }
0x2e: {  	p1 =	sge.u32 s31, s6  }
.Ltmp2:
0x2f: {  	_ = 	snop;
	(pc) =	sbr.rel @p1 .LBB1_5-.Ltmp2, $1  }
0x30: {  	_ =	sdelay $0x3  }
0x31: {  	s16 =	simm.s32 $0x1  }
0x32: {  	_ =	swait.ge [sflag:s5], $0x4000;
	s16 =	simm.s32 @!p0 $0x0  }
0x33: {  	[sflag:s5] =	ssyncset.done $0x0;
	s17 =	sshll.u32 s16, $0xE  }
0x34: {  	[sflag:s5] =	ssyncadd.s32 $0xFFFFC000;
	s18 =	sor.u32 $0x40, s17  }
0x35: {  	s16 =	smul.u32 $0x10200, s16;
	v0 =	vld [tilespmem:s18+$0x30]  }
0x36: {  	v3 =	vld [tilespmem:s18+$0xFFFFFFD0]  }
0x37: {  	s16 =	sshrl.u32 s16, $0x2;
	v4 =	vld [tilespmem:s18+$0xFFFFFFE0]  }
0x38: {  	v5 =	vld [tilespmem:s18+$0xFFFFFFF0];
	s17 =	sor.u32 $0x8000, s16  }
0x39: {  	s31 =	sand.u32 $0x1, s12;
	v1 =	vld [tilespmem:s18+$0x0];
	s19 =	sadd.s32 $0x0, s17  }
0x3a: {  	v2 =	vld [tilespmem:s18+$0x10];
	s16 =	smul.u32 $0x10200, s31;
	[tilespmem:s19+$0x3870 ss:$0x81] =	vst.msk $0xffff, v0  }
0x3b: {  	[tilespmem:s19+$0x810 ss:$0x81] =	vst.msk $0xffff, v3;
	v3 =	vld [tilespmem:s18+$0x20]  }
0x3c: {  	s16 =	sshrl.u32 s16, $0x2;
	v0 =	vld [tilespmem:s18+$0xFFFFFFC0];
	[tilespmem:s19+$0x1020 ss:$0x81] =	vst.msk $0xffff, v4;
	s18 =	sadd.s32 $0x80, s18  }
0x3d: {  	s20 =	simm.s32 $0x4;
	s21 =	simm.s32 $0x8;
	s16 =	sor.u32 $0x8000, s16;
	[tilespmem:s19+$0x1830 ss:$0x81] =	vst.msk $0xffff, v5;
	v4 =	vld [tilespmem:s18+$0x30]  }
.LBB1_3:
0x3e: {  	p1 =	sne.s32 s21, $0x1FC;
	v5 =	vld [tilespmem:s18+$0xFFFFFFD0];
	[tilespmem:s19+$0x2040 ss:$0x81] =	vst.msk $0xffff, v1  }
0x3f: {  	v6 =	vld [tilespmem:s18+$0xFFFFFFE0];
	[tilespmem:s19+$0x2850 ss:$0x81] =	vst.msk $0xffff, v2  }
0x40: {  	s22 =	sshra.s32 s20, $0x2;
	s20 =	smov.u32 s21;
	v7 =	vld [tilespmem:s18+$0xFFFFFFF0];
	[tilespmem:s19+$0x3060 ss:$0x81] =	vst.msk $0xffff, v3  }
.Ltmp3:
0x41: {  	v1 =	vld [tilespmem:s18+$0x0];
	[tilespmem:s19+$0x0 ss:$0x81] =	vst.msk $0xffff, v0;
	s19 =	sadd.s32 s22, s17;
	(pc) =	sbr.rel @p1 .LBB1_3-.Ltmp3, $4  }
0x42: {  	v2 =	vld [tilespmem:s18+$0x10];
	[tilespmem:s19+$0x3870 ss:$0x81] =	vst.msk $0xffff, v4  }
0x43: {  	[tilespmem:s19+$0x810 ss:$0x81] =	vst.msk $0xffff, v5;
	v3 =	vld [tilespmem:s18+$0x20]  }
0x44: {  	v0 =	vld [tilespmem:s18+$0xFFFFFFC0];
	[tilespmem:s19+$0x1020 ss:$0x81] =	vst.msk $0xffff, v6;
	s18 =	sadd.s32 $0x80, s18  }
0x45: {  	s21 =	sadd.s32 $0x4, s21;
	v4 =	vld [tilespmem:s18+$0x30];
	[tilespmem:s19+$0x1830 ss:$0x81] =	vst.msk $0xffff, v7  }
.Ltmp4:
0x46: {  	_ = 	snop;
	(pc) =	sbr.rel .LBB1_4-.Ltmp4, $1  }
0x47: {  	_ =	sdelay $0x3  }
.LBB1_6:
0x48: {  	_ =	sfence.sel $0x180000  }
0x49: {  	s1 =	simm.s32 $0x1;
	[bflag:$0x0] =	sbarrier.arrive $0xFFFF  }
0x4a: {  	s31 =	simm.s32 $0x2;
	[sflag:s1] =	ssyncpa.u1 $0x1  }
0x4b: {  	[sflag:s31] =	ssyncpa.u1 $0x1  }
0x4c: {  	p0 =	sne.s32 s3, $0x0;
	_ =	strace $0x9000004A  }
0x4d: {  	s0 =	sadd.s32 @!p0 $0x100000, s0;
	[bflag:$0x2] =	sbarrier.arrive $0xFFFF  }
0x4e: {  	[sflag:s0] =	ssyncadd.tile.s32 @!p0 $0x1;
	_ =	shalt  }
.Lfunc_end1:
_tile_overlayer_lowered:
.L_overlay_start_2:
0x4f: {  	(tag) =	ssettag $0x2  }
0x50: {  	s0 =	rddreg [dreg:$0x0];
	s2 =	stileid.u32  }
0x51: {  	s1 =	rddreg [dreg:$0x1];
	p0 =	sne.s32 s2, $0x0  }
0x52: {  	s3 =	rddreg [dreg:$0x2];
	[bflag:$0x3] =	sbarrier.arrive $0xFFFF;
	s2 =	simm.s32 @!p0 $0x1C01  }
0x53: {  	[timem:s3], [sflag:s2] =	dma.local @!p0 [hbm:s0], s1  }
0x54: {  	s0 =	simm.s32 @!p0 $0x1  }
0x55: {  	_ =	swait.ge @!p0 [sflag:s0], s1  }
0x56: {  	s1 =	ssub.s32 @!p0 $0x0, s1;
	[sflag:s0] =	ssyncset.done @!p0 $0x0  }
0x57: {  	[sflag:s0] =	ssyncadd.s32 @!p0 s1  }
0x58: {  	[bflag:$0x3] =	sbarrier.arrive $0xFFFF  }
0x59: {  	_ =	shalt  }

</sc_bundles>
